<compile_context>
chip_gen: v7x
topology: tpu7x:2x2x1
jax: 0.10.2.dev20260603
libtpu: 0.0.44.dev20260713+nightly
codegen_flags: <defaults>
</compile_context>

<pallas_src>
import functools

import jax
import jax.numpy as jnp
from jax import lax
from jax.experimental import pallas as pl
from jax.experimental.pallas import tpu as pltpu
from jax.experimental.pallas import tpu_sc as plsc

BATCH = 16384
D = 64
NC, NS = 2, 16
NW = NC * NS
BPW = BATCH // NW
CHUNK = 256
NCHUNK = BPW // CHUNK
L = 16


def _gather_table(tab3, idx_v, out_hbm, base, rowbufs, sems):

    def issue(cc, b):
        def it(t, _):
            rvec = idx_v[pl.ds(cc * CHUNK + t * L, L)]
            gvec = lax.shift_right_logical(rvec, 3)
            svec = jnp.bitwise_and(rvec, 7)
            for lane in range(L):
                g = gvec[lane]
                s = svec[lane]
                pltpu.make_async_copy(
                    tab3.at[g, pl.ds(s, 1), :],
                    rowbufs[b].at[pl.ds(t * L + lane, 1), :],
                    sems[b],
                ).start()
            return ()

        lax.fori_loop(0, CHUNK // L, it, ())

    def drain(b):
        pltpu.make_async_copy(
            out_hbm.at[pl.ds(0, CHUNK)], rowbufs[b], sems[b]
        ).wait()

    issue(0, 0)
    for cc in range(NCHUNK):
        b = cc % 2
        nxt = cc + 1
        if nxt < NCHUNK:
            issue(nxt, 1 - b)
        drain(b)
        pltpu.sync_copy(rowbufs[b],
                        out_hbm.at[pl.ds(base + cc * CHUNK, CHUNK)])


def _gather_body(uidx_hbm, midx_hbm, utab_hbm, mtab_hbm,
                 uout_hbm, mout_hbm,
                 uidx_v, midx_v, rowbuf0, rowbuf1, sem0, sem1):
    wid = lax.axis_index("s") * NC + lax.axis_index("c")
    base = wid * BPW
    pltpu.sync_copy(uidx_hbm.at[pl.ds(base, BPW)], uidx_v)
    pltpu.sync_copy(midx_hbm.at[pl.ds(base, BPW)], midx_v)
    rowbufs = (rowbuf0, rowbuf1)
    sems = (sem0, sem1)
    _gather_table(utab_hbm, uidx_v, uout_hbm, base, rowbufs, sems)
    _gather_table(mtab_hbm, midx_v, mout_hbm, base, rowbufs, sems)


@functools.cache
def _make_gather():
    return pl.kernel(
        _gather_body,
        out_type=(jax.ShapeDtypeStruct((BATCH, D), jnp.float32),
                  jax.ShapeDtypeStruct((BATCH, D), jnp.float32)),
        mesh=plsc.VectorSubcoreMesh(core_axis_name="c", subcore_axis_name="s",
                                    num_cores=NC, num_subcores=NS),
        compiler_params=pltpu.CompilerParams(
            needs_layout_passes=False,
            disable_bounds_checks=True,
            disable_semaphore_checks=True,
            skip_device_barrier=True,
        ),
        scratch_types=[
            pltpu.VMEM((BPW,), jnp.int32),
            pltpu.VMEM((BPW,), jnp.int32),
            pltpu.VMEM((CHUNK, D), jnp.float32),
            pltpu.VMEM((CHUNK, D), jnp.float32),
            pltpu.SemaphoreType.DMA,
            pltpu.SemaphoreType.DMA,
        ],
    )


BLK = 2048


def _mlp_body(ue_ref, me_ref, w1a_ref, w1b_ref, b1_ref, w2_ref, b2_ref,
              w3_ref, b3_ref, o_ref):
    h = jnp.dot(ue_ref[...], w1a_ref[...], preferred_element_type=jnp.float32)
    h = h + jnp.dot(me_ref[...], w1b_ref[...],
                    preferred_element_type=jnp.float32)
    h = jnp.maximum(h + b1_ref[...], 0.0)
    h = jnp.maximum(jnp.dot(h, w2_ref[...],
                            preferred_element_type=jnp.float32) + b2_ref[...],
                    0.0)
    o_ref[...] = jnp.sum(h * w3_ref[...], axis=1) + b3_ref[0, 0]


def _mlp(ue, me, w1a, w1b, b1, w2, b2, w3r, b3r):
    grid = (BATCH // BLK,)
    row_spec = pl.BlockSpec((BLK, D), lambda i: (i, 0))
    full = lambda shape: pl.BlockSpec(shape, lambda i: (0,) * len(shape))
    return pl.pallas_call(
        _mlp_body,
        grid=grid,
        in_specs=[
            row_spec, row_spec,
            full((D, 64)), full((D, 64)), full((1, 64)),
            full((64, 32)), full((1, 32)),
            full((1, 32)), full((1, 1)),
        ],
        out_specs=pl.BlockSpec((BLK,), lambda i: (i,)),
        out_shape=jax.ShapeDtypeStruct((BATCH,), jnp.float32),
    )(ue, me, w1a, w1b, b1, w2, b2, w3r, b3r)


def kernel(user, movie, user_table, movie_table, W1, b1, W2, b2, W3, b3):
    user = user.astype(jnp.int32)
    movie = movie.astype(jnp.int32)
    utab3 = user_table.reshape(-1, 8, D)
    mtab3 = movie_table.reshape(-1, 8, D)
    ue, me = _make_gather()(user, movie, utab3, mtab3)
    return _mlp(ue, me,
                W1[:D], W1[D:], b1.reshape(1, 64),
                W2, b2.reshape(1, 32),
                W3.reshape(1, 32), b3.reshape(1, 1))

# --- scband reference (transcript-rebuilt; emitter-appended) ---
"""Pipeline reference for scband-matrix-factorization-model-8358006358464 (READ-ONLY COPY).

The authoritative reference and input builder live on the scoring server;
editing this copy changes nothing except your own understanding.
"""

import jax, jax.numpy as jnp
import numpy as np

NUM_USERS = 1000000
NUM_MOVIES = 100000
EMBED_DIM = 64
BATCH = 16384


def setup_inputs(seed: int = 0) -> dict:
    key = jax.random.key(seed)
    ks = jax.random.split(key, 10)
    user = jax.random.randint(ks[0], (BATCH,), 0, NUM_USERS)
    movie = jax.random.randint(ks[1], (BATCH,), 0, NUM_MOVIES)
    user_table = jax.random.normal(ks[2], (NUM_USERS, EMBED_DIM), dtype=jnp.float32)
    movie_table = jax.random.normal(ks[3], (NUM_MOVIES, EMBED_DIM), dtype=jnp.float32)
    W1 = jax.random.normal(ks[4], (EMBED_DIM * 2, 64), dtype=jnp.float32) * 0.05
    b1 = jnp.zeros((64,), dtype=jnp.float32)
    W2 = jax.random.normal(ks[5], (64, 32), dtype=jnp.float32) * 0.05
    b2 = jnp.zeros((32,), dtype=jnp.float32)
    W3 = jax.random.normal(ks[6], (32, 1), dtype=jnp.float32) * 0.05
    b3 = jnp.zeros((1,), dtype=jnp.float32)
    return {"user": user, "movie": movie, "user_table": user_table,
            "movie_table": movie_table, "W1": W1, "b1": b1, "W2": W2,
            "b2": b2, "W3": W3, "b3": b3}


def reference(user, movie, user_table, movie_table, W1, b1, W2, b2, W3, b3):
    user_emb = jnp.take(user_table, user, axis=0)
    movie_emb = jnp.take(movie_table, movie, axis=0)
    x = jnp.concatenate((user_emb, movie_emb), axis=1)
    x = jax.nn.relu(x @ W1 + b1)
    x = jax.nn.relu(x @ W2 + b2)
    x = x @ W3 + b3
    return x.reshape(-1)

if __name__ == "__main__":
    import jax
    _d = setup_inputs()
    print(jax.jit(kernel)(*tuple(_d.values())))

</pallas_src>

<mosaic_0001>
#map = affine_map<(d0, d1) -> (0)>
#map1 = affine_map<(d0, d1) -> (0, 0, 0)>
#map2 = affine_map<(d0, d1) -> (0, 0)>
module attributes {stable_mosaic.version = 14 : i64} {
  func.func @_gather_body(%arg0: i32, %arg1: i32, %arg2: memref<16384xi32, #tpu.memory_space<hbm>>, %arg3: memref<16384xi32, #tpu.memory_space<hbm>>, %arg4: memref<125000x8x64xf32, #tpu.memory_space<hbm>>, %arg5: memref<12500x8x64xf32, #tpu.memory_space<hbm>>, %arg6: memref<16384x64xf32, #tpu.memory_space<hbm>>, %arg7: memref<16384x64xf32, #tpu.memory_space<hbm>>, %arg8: memref<512xi32, #tpu.memory_space<vmem>>, %arg9: memref<512xi32, #tpu.memory_space<vmem>>, %arg10: memref<256x64xf32, #tpu.memory_space<vmem>>, %arg11: memref<256x64xf32, #tpu.memory_space<vmem>>, %arg12: memref<!tpu.dma_semaphore, #tpu.memory_space<semaphore_mem>>, %arg13: memref<!tpu.dma_semaphore, #tpu.memory_space<semaphore_mem>>) attributes {dimension_semantics = [#tpu.dimension_semantics<core_parallel>, #tpu.dimension_semantics<subcore_parallel>], iteration_bounds = array<i64: 2, 16>, scalar_prefetch = 0 : i64, scratch_operands = 6 : i64, tpu.core_type = #tpu.core_type<sc_vector_subcore>, window_params = [{transform_indices = #map}, {transform_indices = #map}, {transform_indices = #map1}, {transform_indices = #map1}, {transform_indices = #map2}, {transform_indices = #map2}]} {
    %mul3A = arith.constant 2 : i32
    %mul3A_0 = arith.muli %arg1, %mul3A : i32
    %add3A = arith.addi %mul3A_0, %arg0 : i32
    %mul3A_1 = arith.constant 512 : i32
    %mul3A_2 = arith.muli %add3A, %mul3A_1 : i32
    "tpu.region"() ({
      %run_scoped3A = tpu.sem_alloc : memref<!tpu.dma_semaphore, #tpu.memory_space<semaphore_mem>>
      %dma_start3A = tpu.memref_slice %arg2[%mul3A_2] : memref<16384xi32, #tpu.memory_space<hbm>> -> memref<512xi32, #tpu.memory_space<hbm>>
      %dma_start3A_53 = tpu.memref_slice %arg2[%mul3A_2] : memref<16384xi32, #tpu.memory_space<hbm>> -> memref<512xi32, #tpu.memory_space<hbm>>
      tpu.enqueue_dma source(%dma_start3A_53 : memref<512xi32, #tpu.memory_space<hbm>>) target(%arg8 : memref<512xi32, #tpu.memory_space<vmem>>) target_semaphore(%run_scoped3A : memref<!tpu.dma_semaphore, #tpu.memory_space<semaphore_mem>>)
      %dma_wait3A_54 = tpu.memref_slice %arg2[%mul3A_2] : memref<16384xi32, #tpu.memory_space<hbm>> -> memref<512xi32, #tpu.memory_space<hbm>>
      %dma_wait3A_55 = tpu.memref_slice %arg2[%mul3A_2] : memref<16384xi32, #tpu.memory_space<hbm>> -> memref<512xi32, #tpu.memory_space<hbm>>
      tpu.wait_dma2 semaphore(%run_scoped3A : memref<!tpu.dma_semaphore, #tpu.memory_space<semaphore_mem>>) src(%dma_wait3A_55 : memref<512xi32, #tpu.memory_space<hbm>>) dst(%arg8 : memref<512xi32, #tpu.memory_space<vmem>>)
      tpu.yield
    }) : () -> ()
    "tpu.region"() ({
      %run_scoped3A = tpu.sem_alloc : memref<!tpu.dma_semaphore, #tpu.memory_space<semaphore_mem>>
      %dma_start3A = tpu.memref_slice %arg3[%mul3A_2] : memref<16384xi32, #tpu.memory_space<hbm>> -> memref<512xi32, #tpu.memory_space<hbm>>
      %dma_start3A_53 = tpu.memref_slice %arg3[%mul3A_2] : memref<16384xi32, #tpu.memory_space<hbm>> -> memref<512xi32, #tpu.memory_space<hbm>>
      tpu.enqueue_dma source(%dma_start3A_53 : memref<512xi32, #tpu.memory_space<hbm>>) target(%arg9 : memref<512xi32, #tpu.memory_space<vmem>>) target_semaphore(%run_scoped3A : memref<!tpu.dma_semaphore, #tpu.memory_space<semaphore_mem>>)
      %dma_wait3A_54 = tpu.memref_slice %arg3[%mul3A_2] : memref<16384xi32, #tpu.memory_space<hbm>> -> memref<512xi32, #tpu.memory_space<hbm>>
      %dma_wait3A_55 = tpu.memref_slice %arg3[%mul3A_2] : memref<16384xi32, #tpu.memory_space<hbm>> -> memref<512xi32, #tpu.memory_space<hbm>>
      tpu.wait_dma2 semaphore(%run_scoped3A : memref<!tpu.dma_semaphore, #tpu.memory_space<semaphore_mem>>) src(%dma_wait3A_55 : memref<512xi32, #tpu.memory_space<hbm>>) dst(%arg9 : memref<512xi32, #tpu.memory_space<vmem>>)
      tpu.yield
    }) : () -> ()
    %scan3A = arith.constant 0 : i32
    %scan3A_3 = arith.constant 16 : i32
    %scan3A_4 = arith.addi %scan3A, %scan3A_3 : i32
    %scan3A_5 = arith.constant 1 : i32
    scf.for %scan3A_53 = %scan3A to %scan3A_4 step %scan3A_5  : i32 {
      %mul3A_54 = arith.constant 16 : i32
      %mul3A_55 = arith.muli %scan3A_53, %mul3A_54 : i32
      %add3A_56 = arith.constant 0 : i32
      %add3A_57 = arith.addi %add3A_56, %mul3A_55 : i32
      %get3A = arith.index_cast %add3A_57 : i32 to index
      %get3A_58 = tpu.vector_load %arg8[%get3A] {strides = array<i32>} : memref<512xi32, #tpu.memory_space<vmem>>, vector<16xi32>,
      %shift_right_logical3A = arith.constant 3 : i32
      %shift_right_logical3A_59 = vector.broadcast %shift_right_logical3A : i32 to vector<16xi32>
      %shift_right_logical3A_60 = arith.shrui %get3A_58, %shift_right_logical3A_59 : vector<16xi32>
      %and3A = arith.constant 7 : i32
      %and3A_61 = vector.broadcast %and3A : i32 to vector<16xi32>
      %and3A_62 = arith.andi %get3A_58, %and3A_61 : vector<16xi32>
      %slice3A = vector.extract_strided_slice %shift_right_logical3A_60 {offsets = [0], sizes = [1], strides = [1]} : vector<16xi32> to vector<1xi32>
      %squeeze3A = vector.extract %slice3A[0] : i32 from vector<1xi32>
      %slice3A_63 = vector.extract_strided_slice %and3A_62 {offsets = [0], sizes = [1], strides = [1]} : vector<16xi32> to vector<1xi32>
      %squeeze3A_64 = vector.extract %slice3A_63[0] : i32 from vector<1xi32>
      %mul3A_65 = arith.constant 16 : i32
      %mul3A_66 = arith.muli %scan3A_53, %mul3A_65 : i32
      %add3A_67 = arith.constant 0 : i32
      %add3A_68 = arith.addi %mul3A_66, %add3A_67 : i32
      %dma_start3A = arith.constant 0 : i32
      %dma_start3A_69 = tpu.memref_slice %arg10[%add3A_68, %dma_start3A] : memref<256x64xf32, #tpu.memory_space<vmem>> -> memref<1x64xf32, #tpu.memory_space<vmem>>
      %dma_start3A_70 = arith.constant 0 : i32
      %dma_start3A_71 = tpu.memref_slice %arg4[%squeeze3A, %squeeze3A_64, %dma_start3A_70] : memref<125000x8x64xf32, #tpu.memory_space<hbm>> -> memref<1x1x64xf32, #tpu.memory_space<hbm>>
      %dma_start3A_72 = tpu.memref_squeeze %dma_start3A_71 : memref<1x1x64xf32, #tpu.memory_space<hbm>> -> memref<1x64xf32, #tpu.memory_space<hbm>>
      %dma_start3A_73 = arith.constant 0 : i32
      %dma_start3A_74 = tpu.memref_slice %arg10[%add3A_68, %dma_start3A_73] : memref<256x64xf32, #tpu.memory_space<vmem>> -> memref<1x64xf32, #tpu.memory_space<vmem>>
      %dma_start3A_75 = arith.constant 0 : i32
      %dma_start3A_76 = tpu.memref_slice %arg4[%squeeze3A, %squeeze3A_64, %dma_start3A_75] : memref<125000x8x64xf32, #tpu.memory_space<hbm>> -> memref<1x1x64xf32, #tpu.memory_space<hbm>>
      %dma_start3A_77 = tpu.memref_squeeze %dma_start3A_76 : memref<1x1x64xf32, #tpu.memory_space<hbm>> -> memref<1x64xf32, #tpu.memory_space<hbm>>
      tpu.enqueue_dma source(%dma_start3A_77 : memref<1x64xf32, #tpu.memory_space<hbm>>) target(%dma_start3A_74 : memref<1x64xf32, #tpu.memory_space<vmem>>) target_semaphore(%arg12 : memref<!tpu.dma_semaphore, #tpu.memory_space<semaphore_mem>>)
      %slice3A_78 = vector.extract_strided_slice %shift_right_logical3A_60 {offsets = [1], sizes = [1], strides = [1]} : vector<16xi32> to vector<1xi32>
      %squeeze3A_79 = vector.extract %slice3A_78[0] : i32 from vector<1xi32>
      %slice3A_80 = vector.extract_strided_slice %and3A_62 {offsets = [1], sizes = [1], strides = [1]} : vector<16xi32> to vector<1xi32>
      %squeeze3A_81 = vector.extract %slice3A_80[0] : i32 from vector<1xi32>
      %mul3A_82 = arith.constant 16 : i32
      %mul3A_83 = arith.muli %scan3A_53, %mul3A_82 : i32
      %add3A_84 = arith.constant 1 : i32
      %add3A_85 = arith.addi %mul3A_83, %add3A_84 : i32
      %dma_start3A_86 = arith.constant 0 : i32
      %dma_start3A_87 = tpu.memref_slice %arg10[%add3A_85, %dma_start3A_86] : memref<256x64xf32, #tpu.memory_space<vmem>> -> memref<1x64xf32, #tpu.memory_space<vmem>>
      %dma_start3A_88 = arith.constant 0 : i32
      %dma_start3A_89 = tpu.memref_slice %arg4[%squeeze3A_79, %squeeze3A_81, %dma_start3A_88] : memref<125000x8x64xf32, #tpu.memory_space<hbm>> -> memref<1x1x64xf32, #tpu.memory_space<hbm>>
      %dma_start3A_90 = tpu.memref_squeeze %dma_start3A_89 : memref<1x1x64xf32, #tpu.memory_space<hbm>> -> memref<1x64xf32, #tpu.memory_space<hbm>>
      %dma_start3A_91 = arith.constant 0 : i32
      %dma_start3A_92 = tpu.memref_slice %arg10[%add3A_85, %dma_start3A_91] : memref<256x64xf32, #tpu.memory_space<vmem>> -> memref<1x64xf32, #tpu.memory_space<vmem>>
      %dma_start3A_93 = arith.constant 0 : i32
      %dma_start3A_94 = tpu.memref_slice %arg4[%squeeze3A_79, %squeeze3A_81, %dma_start3A_93] : memref<125000x8x64xf32, #tpu.memory_space<hbm>> -> memref<1x1x64xf32, #tpu.memory_space<hbm>>
      %dma_start3A_95 = tpu.memref_squeeze %dma_start3A_94 : memref<1x1x64xf32, #tpu.memory_space<hbm>> -> memref<1x64xf32, #tpu.memory_space<hbm>>
      tpu.enqueue_dma source(%dma_start3A_95 : memref<1x64xf32, #tpu.memory_space<hbm>>) target(%dma_start3A_92 : memref<1x64xf32, #tpu.memory_space<vmem>>) target_semaphore(%arg12 : memref<!tpu.dma_semaphore, #tpu.memory_space<semaphore_mem>>)
      %slice3A_96 = vector.extract_strided_slice %shift_right_logical3A_60 {offsets = [2], sizes = [1], strides = [1]} : vector<16xi32> to vector<1xi32>
      %squeeze3A_97 = vector.extract %slice3A_96[0] : i32 from vector<1xi32>
      %slice3A_98 = vector.extract_strided_slice %and3A_62 {offsets = [2], sizes = [1], strides = [1]} : vector<16xi32> to vector<1xi32>
      %squeeze3A_99 = vector.extract %slice3A_98[0] : i32 from vector<1xi32>
      %mul3A_100 = arith.constant 16 : i32
      %mul3A_101 = arith.muli %scan3A_53, %mul3A_100 : i32
      %add3A_102 = arith.constant 2 : i32
      %add3A_103 = arith.addi %mul3A_101, %add3A_102 : i32
      %dma_start3A_104 = arith.constant 0 : i32
      %dma_start3A_105 = tpu.memref_slice %arg10[%add3A_103, %dma_start3A_104] : memref<256x64xf32, #tpu.memory_space<vmem>> -> memref<1x64xf32, #tpu.memory_space<vmem>>
      %dma_start3A_106 = arith.constant 0 : i32
      %dma_start3A_107 = tpu.memref_slice %arg4[%squeeze3A_97, %squeeze3A_99, %dma_start3A_106] : memref<125000x8x64xf32, #tpu.memory_space<hbm>> -> memref<1x1x64xf32, #tpu.memory_space<hbm>>
      %dma_start3A_108 = tpu.memref_squeeze %dma_start3A_107 : memref<1x1x64xf32, #tpu.memory_space<hbm>> -> memref<1x64xf32, #tpu.memory_space<hbm>>
      %dma_start3A_109 = arith.constant 0 : i32
      %dma_start3A_110 = tpu.memref_slice %arg10[%add3A_103, %dma_start3A_109] : memref<256x64xf32, #tpu.memory_space<vmem>> -> memref<1x64xf32, #tpu.memory_space<vmem>>
      %dma_start3A_111 = arith.constant 0 : i32
      %dma_start3A_112 = tpu.memref_slice %arg4[%squeeze3A_97, %squeeze3A_99, %dma_start3A_111] : memref<125000x8x64xf32, #tpu.memory_space<hbm>> -> memref<1x1x64xf32, #tpu.memory_space<hbm>>
      %dma_start3A_113 = tpu.memref_squeeze %dma_start3A_112 : memref<1x1x64xf32, #tpu.memory_space<hbm>> -> memref<1x64xf32, #tpu.memory_space<hbm>>
      tpu.enqueue_dma source(%dma_start3A_113 : memref<1x64xf32, #tpu.memory_space<hbm>>) target(%dma_start3A_110 : memref<1x64xf32, #tpu.memory_space<vmem>>) target_semaphore(%arg12 : memref<!tpu.dma_semaphore, #tpu.memory_space<semaphore_mem>>)
      %slice3A_114 = vector.extract_strided_slice %shift_right_logical3A_60 {offsets = [3], sizes = [1], strides = [1]} : vector<16xi32> to vector<1xi32>
      %squeeze3A_115 = vector.extract %slice3A_114[0] : i32 from vector<1xi32>
      %slice3A_116 = vector.extract_strided_slice %and3A_62 {offsets = [3], sizes = [1], strides = [1]} : vector<16xi32> to vector<1xi32>
      %squeeze3A_117 = vector.extract %slice3A_116[0] : i32 from vector<1xi32>
      %mul3A_118 = arith.constant 16 : i32
      %mul3A_119 = arith.muli %scan3A_53, %mul3A_118 : i32
      %add3A_120 = arith.constant 3 : i32
      %add3A_121 = arith.addi %mul3A_119, %add3A_120 : i32
      %dma_start3A_122 = arith.constant 0 : i32
      %dma_start3A_123 = tpu.memref_slice %arg10[%add3A_121, %dma_start3A_122] : memref<256x64xf32, #tpu.memory_space<vmem>> -> memref<1x64xf32, #tpu.memory_space<vmem>>
      %dma_start3A_124 = arith.constant 0 : i32
      %dma_start3A_125 = tpu.memref_slice %arg4[%squeeze3A_115, %squeeze3A_117, %dma_start3A_124] : memref<125000x8x64xf32, #tpu.memory_space<hbm>> -> memref<1x1x64xf32, #tpu.memory_space<hbm>>
      %dma_start3A_126 = tpu.memref_squeeze %dma_start3A_125 : memref<1x1x64xf32, #tpu.memory_space<hbm>> -> memref<1x64xf32, #tpu.memory_space<hbm>>
      %dma_start3A_127 = arith.constant 0 : i32
      %dma_start3A_128 = tpu.memref_slice %arg10[%add3A_121, %dma_start3A_127] : memref<256x64xf32, #tpu.memory_space<vmem>> -> memref<1x64xf32, #tpu.memory_space<vmem>>
      %dma_start3A_129 = arith.constant 0 : i32
      %dma_start3A_130 = tpu.memref_slice %arg4[%squeeze3A_115, %squeeze3A_117, %dma_start3A_129] : memref<125000x8x64xf32, #tpu.memory_space<hbm>> -> memref<1x1x64xf32, #tpu.memory_space<hbm>>
      %dma_start3A_131 = tpu.memref_squeeze %dma_start3A_130 : memref<1x1x64xf32, #tpu.memory_space<hbm>> -> memref<1x64xf32, #tpu.memory_space<hbm>>
      tpu.enqueue_dma source(%dma_start3A_131 : memref<1x64xf32, #tpu.memory_space<hbm>>) target(%dma_start3A_128 : memref<1x64xf32, #tpu.memory_space<vmem>>) target_semaphore(%arg12 : memref<!tpu.dma_semaphore, #tpu.memory_space<semaphore_mem>>)
      %slice3A_132 = vector.extract_strided_slice %shift_right_logical3A_60 {offsets = [4], sizes = [1], strides = [1]} : vector<16xi32> to vector<1xi32>
      %squeeze3A_133 = vector.extract %slice3A_132[0] : i32 from vector<1xi32>
      %slice3A_134 = vector.extract_strided_slice %and3A_62 {offsets = [4], sizes = [1], strides = [1]} : vector<16xi32> to vector<1xi32>
      %squeeze3A_135 = vector.extract %slice3A_134[0] : i32 from vector<1xi32>
      %mul3A_136 = arith.constant 16 : i32
      %mul3A_137 = arith.muli %scan3A_53, %mul3A_136 : i32
      %add3A_138 = arith.constant 4 : i32
      %add3A_139 = arith.addi %mul3A_137, %add3A_138 : i32
      %dma_start3A_140 = arith.constant 0 : i32
      %dma_start3A_141 = tpu.memref_slice %arg10[%add3A_139, %dma_start3A_140] : memref<256x64xf32, #tpu.memory_space<vmem>> -> memref<1x64xf32, #tpu.memory_space<vmem>>
      %dma_start3A_142 = arith.constant 0 : i32
      %dma_start3A_143 = tpu.memref_slice %arg4[%squeeze3A_133, %squeeze3A_135, %dma_start3A_142] : memref<125000x8x64xf32, #tpu.memory_space<hbm>> -> memref<1x1x64xf32, #tpu.memory_space<hbm>>
      %dma_start3A_144 = tpu.memref_squeeze %dma_start3A_143 : memref<1x1x64xf32, #tpu.memory_space<hbm>> -> memref<1x64xf32, #tpu.memory_space<hbm>>
      %dma_start3A_145 = arith.constant 0 : i32
      %dma_start3A_146 = tpu.memref_slice %arg10[%add3A_139, %dma_start3A_145] : memref<256x64xf32, #tpu.memory_space<vmem>> -> memref<1x64xf32, #tpu.memory_space<vmem>>
      %dma_start3A_147 = arith.constant 0 : i32
      %dma_start3A_148 = tpu.memref_slice %arg4[%squeeze3A_133, %squeeze3A_135, %dma_start3A_147] : memref<125000x8x64xf32, #tpu.memory_space<hbm>> -> memref<1x1x64xf32, #tpu.memory_space<hbm>>
      %dma_start3A_149 = tpu.memref_squeeze %dma_start3A_148 : memref<1x1x64xf32, #tpu.memory_space<hbm>> -> memref<1x64xf32, #tpu.memory_space<hbm>>
      tpu.enqueue_dma source(%dma_start3A_149 : memref<1x64xf32, #tpu.memory_space<hbm>>) target(%dma_start3A_146 : memref<1x64xf32, #tpu.memory_space<vmem>>) target_semaphore(%arg12 : memref<!tpu.dma_semaphore, #tpu.memory_space<semaphore_mem>>)
      %slice3A_150 = vector.extract_strided_slice %shift_right_logical3A_60 {offsets = [5], sizes = [1], strides = [1]} : vector<16xi32> to vector<1xi32>
      %squeeze3A_151 = vector.extract %slice3A_150[0] : i32 from vector<1xi32>
      %slice3A_152 = vector.extract_strided_slice %and3A_62 {offsets = [5], sizes = [1], strides = [1]} : vector<16xi32> to vector<1xi32>
      %squeeze3A_153 = vector.extract %slice3A_152[0] : i32 from vector<1xi32>
      %mul3A_154 = arith.constant 16 : i32
      %mul3A_155 = arith.muli %scan3A_53, %mul3A_154 : i32
      %add3A_156 = arith.constant 5 : i32
      %add3A_157 = arith.addi %mul3A_155, %add3A_156 : i32
      %dma_start3A_158 = arith.constant 0 : i32
      %dma_start3A_159 = tpu.memref_slice %arg10[%add3A_157, %dma_start3A_158] : memref<256x64xf32, #tpu.memory_space<vmem>> -> memref<1x64xf32, #tpu.memory_space<vmem>>
      %dma_start3A_160 = arith.constant 0 : i32
      %dma_start3A_161 = tpu.memref_slice %arg4[%squeeze3A_151, %squeeze3A_153, %dma_start3A_160] : memref<125000x8x64xf32, #tpu.memory_space<hbm>> -> memref<1x1x64xf32, #tpu.memory_space<hbm>>
      %dma_start3A_162 = tpu.memref_squeeze %dma_start3A_161 : memref<1x1x64xf32, #tpu.memory_space<hbm>> -> memref<1x64xf32, #tpu.memory_space<hbm>>
      %dma_start3A_163 = arith.constant 0 : i32
      %dma_start3A_164 = tpu.memref_slice %arg10[%add3A_157, %dma_start3A_163] : memref<256x64xf32, #tpu.memory_space<vmem>> -> memref<1x64xf32, #tpu.memory_space<vmem>>
      %dma_start3A_165 = arith.constant 0 : i32
      %dma_start3A_166 = tpu.memref_slice %arg4[%squeeze3A_151, %squeeze3A_153, %dma_start3A_165] : memref<125000x8x64xf32, #tpu.memory_space<hbm>> -> memref<1x1x64xf32, #tpu.memory_space<hbm>>
      %dma_start3A_167 = tpu.memref_squeeze %dma_start3A_166 : memref<1x1x64xf32, #tpu.memory_space<hbm>> -> memref<1x64xf32, #tpu.memory_space<hbm>>
      tpu.enqueue_dma source(%dma_start3A_167 : memref<1x64xf32, #tpu.memory_space<hbm>>) target(%dma_start3A_164 : memref<1x64xf32, #tpu.memory_space<vmem>>) target_semaphore(%arg12 : memref<!tpu.dma_semaphore, #tpu.memory_space<semaphore_mem>>)
      %slice3A_168 = vector.extract_strided_slice %shift_right_logical3A_60 {offsets = [6], sizes = [1], strides = [1]} : vector<16xi32> to vector<1xi32>
      %squeeze3A_169 = vector.extract %slice3A_168[0] : i32 from vector<1xi32>
      %slice3A_170 = vector.extract_strided_slice %and3A_62 {offsets = [6], sizes = [1], strides = [1]} : vector<16xi32> to vector<1xi32>
      %squeeze3A_171 = vector.extract %slice3A_170[0] : i32 from vector<1xi32>
      %mul3A_172 = arith.constant 16 : i32
      %mul3A_173 = arith.muli %scan3A_53, %mul3A_172 : i32
      %add3A_174 = arith.constant 6 : i32
      %add3A_175 = arith.addi %mul3A_173, %add3A_174 : i32
      %dma_start3A_176 = arith.constant 0 : i32
      %dma_start3A_177 = tpu.memref_slice %arg10[%add3A_175, %dma_start3A_176] : memref<256x64xf32, #tpu.memory_space<vmem>> -> memref<1x64xf32, #tpu.memory_space<vmem>>
      %dma_start3A_178 = arith.constant 0 : i32
      %dma_start3A_179 = tpu.memref_slice %arg4[%squeeze3A_169, %squeeze3A_171, %dma_start3A_178] : memref<125000x8x64xf32, #tpu.memory_space<hbm>> -> memref<1x1x64xf32, #tpu.memory_space<hbm>>
      %dma_start3A_180 = tpu.memref_squeeze %dma_start3A_179 : memref<1x1x64xf32, #tpu.memory_space<hbm>> -> memref<1x64xf32, #tpu.memory_space<hbm>>
      %dma_start3A_181 = arith.constant 0 : i32
      %dma_start3A_182 = tpu.memref_slice %arg10[%add3A_175, %dma_start3A_181] : memref<256x64xf32, #tpu.memory_space<vmem>> -> memref<1x64xf32, #tpu.memory_space<vmem>>
      %dma_start3A_183 = arith.constant 0 : i32
      %dma_start3A_184 = tpu.memref_slice %arg4[%squeeze3A_169, %squeeze3A_171, %dma_start3A_183] : memref<125000x8x64xf32, #tpu.memory_space<hbm>> -> memref<1x1x64xf32, #tpu.memory_space<hbm>>
      %dma_start3A_185 = tpu.memref_squeeze %dma_start3A_184 : memref<1x1x64xf32, #tpu.memory_space<hbm>> -> memref<1x64xf32, #tpu.memory_space<hbm>>
      tpu.enqueue_dma source(%dma_start3A_185 : memref<1x64xf32, #tpu.memory_space<hbm>>) target(%dma_start3A_182 : memref<1x64xf32, #tpu.memory_space<vmem>>) target_semaphore(%arg12 : memref<!tpu.dma_semaphore, #tpu.memory_space<semaphore_mem>>)
      %slice3A_186 = vector.extract_strided_slice %shift_right_logical3A_60 {offsets = [7], sizes = [1], strides = [1]} : vector<16xi32> to vector<1xi32>
      %squeeze3A_187 = vector.extract %slice3A_186[0] : i32 from vector<1xi32>
      %slice3A_188 = vector.extract_strided_slice %and3A_62 {offsets = [7], sizes = [1], strides = [1]} : vector<16xi32> to vector<1xi32>
      %squeeze3A_189 = vector.extract %slice3A_188[0] : i32 from vector<1xi32>
      %mul3A_190 = arith.constant 16 : i32
      %mul3A_191 = arith.muli %scan3A_53, %mul3A_190 : i32
      %add3A_192 = arith.constant 7 : i32
      %add3A_193 = arith.addi %mul3A_191, %add3A_192 : i32
      %dma_start3A_194 = arith.constant 0 : i32
      %dma_start3A_195 = tpu.memref_slice %arg10[%add3A_193, %dma_start3A_194] : memref<256x64xf32, #tpu.memory_space<vmem>> -> memref<1x64xf32, #tpu.memory_space<vmem>>
      %dma_start3A_196 = arith.constant 0 : i32
      %dma_start3A_197 = tpu.memref_slice %arg4[%squeeze3A_187, %squeeze3A_189, %dma_start3A_196] : memref<125000x8x64xf32, #tpu.memory_space<hbm>> -> memref<1x1x64xf32, #tpu.memory_space<hbm>>
      %dma_start3A_198 = tpu.memref_squeeze %dma_start3A_197 : memref<1x1x64xf32, #tpu.memory_space<hbm>> -> memref<1x64xf32, #tpu.memory_space<hbm>>
      %dma_start3A_199 = arith.constant 0 : i32
      %dma_start3A_200 = tpu.memref_slice %arg10[%add3A_193, %dma_start3A_199] : memref<256x64xf32, #tpu.memory_space<vmem>> -> memref<1x64xf32, #tpu.memory_space<vmem>>
      %dma_start3A_201 = arith.constant 0 : i32
      %dma_start3A_202 = tpu.memref_slice %arg4[%squeeze3A_187, %squeeze3A_189, %dma_start3A_201] : memref<125000x8x64xf32, #tpu.memory_space<hbm>> -> memref<1x1x64xf32, #tpu.memory_space<hbm>>
      %dma_start3A_203 = tpu.memref_squeeze %dma_start3A_202 : memref<1x1x64xf32, #tpu.memory_space<hbm>> -> memref<1x64xf32, #tpu.memory_space<hbm>>
      tpu.enqueue_dma source(%dma_start3A_203 : memref<1x64xf32, #tpu.memory_space<hbm>>) target(%dma_start3A_200 : memref<1x64xf32, #tpu.memory_space<vmem>>) target_semaphore(%arg12 : memref<!tpu.dma_semaphore, #tpu.memory_space<semaphore_mem>>)
      %slice3A_204 = vector.extract_strided_slice %shift_right_logical3A_60 {offsets = [8], sizes = [1], strides = [1]} : vector<16xi32> to vector<1xi32>
      %squeeze3A_205 = vector.extract %slice3A_204[0] : i32 from vector<1xi32>
      %slice3A_206 = vector.extract_strided_slice %and3A_62 {offsets = [8], sizes = [1], strides = [1]} : vector<16xi32> to vector<1xi32>
      %squeeze3A_207 = vector.extract %slice3A_206[0] : i32 from vector<1xi32>
      %mul3A_208 = arith.constant 16 : i32
      %mul3A_209 = arith.muli %scan3A_53, %mul3A_208 : i32
      %add3A_210 = arith.constant 8 : i32
      %add3A_211 = arith.addi %mul3A_209, %add3A_210 : i32
      %dma_start3A_212 = arith.constant 0 : i32
      %dma_start3A_213 = tpu.memref_slice %arg10[%add3A_211, %dma_start3A_212] : memref<256x64xf32, #tpu.memory_space<vmem>> -> memref<1x64xf32, #tpu.memory_space<vmem>>
      %dma_start3A_214 = arith.constant 0 : i32
      %dma_start3A_215 = tpu.memref_slice %arg4[%squeeze3A_205, %squeeze3A_207, %dma_start3A_214] : memref<125000x8x64xf32, #tpu.memory_space<hbm>> -> memref<1x1x64xf32, #tpu.memory_space<hbm>>
      %dma_start3A_216 = tpu.memref_squeeze %dma_start3A_215 : memref<1x1x64xf32, #tpu.memory_space<hbm>> -> memref<1x64xf32, #tpu.memory_space<hbm>>
      %dma_start3A_217 = arith.constant 0 : i32
      %dma_start3A_218 = tpu.memref_slice %arg10[%add3A_211, %dma_start3A_217] : memref<256x64xf32, #tpu.memory_space<vmem>> -> memref<1x64xf32, #tpu.memory_space<vmem>>
      %dma_start3A_219 = arith.constant 0 : i32
      %dma_start3A_220 = tpu.memref_slice %arg4[%squeeze3A_205, %squeeze3A_207, %dma_start3A_219] : memref<125000x8x64xf32, #tpu.memory_space<hbm>> -> memref<1x1x64xf32, #tpu.memory_space<hbm>>
      %dma_start3A_221 = tpu.memref_squeeze %dma_start3A_220 : memref<1x1x64xf32, #tpu.memory_space<hbm>> -> memref<1x64xf32, #tpu.memory_space<hbm>>
      tpu.enqueue_dma source(%dma_start3A_221 : memref<1x64xf32, #tpu.memory_space<hbm>>) target(%dma_start3A_218 : memref<1x64xf32, #tpu.memory_space<vmem>>) target_semaphore(%arg12 : memref<!tpu.dma_semaphore, #tpu.memory_space<semaphore_mem>>)
      %slice3A_222 = vector.extract_strided_slice %shift_right_logical3A_60 {offsets = [9], sizes = [1], strides = [1]} : vector<16xi32> to vector<1xi32>
      %squeeze3A_223 = vector.extract %slice3A_222[0] : i32 from vector<1xi32>
      %slice3A_224 = vector.extract_strided_slice %and3A_62 {offsets = [9], sizes = [1], strides = [1]} : vector<16xi32> to vector<1xi32>
      %squeeze3A_225 = vector.extract %slice3A_224[0] : i32 from vector<1xi32>
      %mul3A_226 = arith.constant 16 : i32
      %mul3A_227 = arith.muli %scan3A_53, %mul3A_226 : i32
      %add3A_228 = arith.constant 9 : i32
      %add3A_229 = arith.addi %mul3A_227, %add3A_228 : i32
      %dma_start3A_230 = arith.constant 0 : i32
      %dma_start3A_231 = tpu.memref_slice %arg10[%add3A_229, %dma_start3A_230] : memref<256x64xf32, #tpu.memory_space<vmem>> -> memref<1x64xf32, #tpu.memory_space<vmem>>
      %dma_start3A_232 = arith.constant 0 : i32
      %dma_start3A_233 = tpu.memref_slice %arg4[%squeeze3A_223, %squeeze3A_225, %dma_start3A_232] : memref<125000x8x64xf32, #tpu.memory_space<hbm>> -> memref<1x1x64xf32, #tpu.memory_space<hbm>>
      %dma_start3A_234 = tpu.memref_squeeze %dma_start3A_233 : memref<1x1x64xf32, #tpu.memory_space<hbm>> -> memref<1x64xf32, #tpu.memory_space<hbm>>
      %dma_start3A_235 = arith.constant 0 : i32
      %dma_start3A_236 = tpu.memref_slice %arg10[%add3A_229, %dma_start3A_235] : memref<256x64xf32, #tpu.memory_space<vmem>> -> memref<1x64xf32, #tpu.memory_space<vmem>>
      %dma_start3A_237 = arith.constant 0 : i32
      %dma_start3A_238 = tpu.memref_slice %arg4[%squeeze3A_223, %squeeze3A_225, %dma_start3A_237] : memref<125000x8x64xf32, #tpu.memory_space<hbm>> -> memref<1x1x64xf32, #tpu.memory_space<hbm>>
      %dma_start3A_239 = tpu.memref_squeeze %dma_start3A_238 : memref<1x1x64xf32, #tpu.memory_space<hbm>> -> memref<1x64xf32, #tpu.memory_space<hbm>>
      tpu.enqueue_dma source(%dma_start3A_239 : memref<1x64xf32, #tpu.memory_space<hbm>>) target(%dma_start3A_236 : memref<1x64xf32, #tpu.memory_space<vmem>>) target_semaphore(%arg12 : memref<!tpu.dma_semaphore, #tpu.memory_space<semaphore_mem>>)
      %slice3A_240 = vector.extract_strided_slice %shift_right_logical3A_60 {offsets = [10], sizes = [1], strides = [1]} : vector<16xi32> to vector<1xi32>
      %squeeze3A_241 = vector.extract %slice3A_240[0] : i32 from vector<1xi32>
      %slice3A_242 = vector.extract_strided_slice %and3A_62 {offsets = [10], sizes = [1], strides = [1]} : vector<16xi32> to vector<1xi32>
      %squeeze3A_243 = vector.extract %slice3A_242[0] : i32 from vector<1xi32>
      %mul3A_244 = arith.constant 16 : i32
      %mul3A_245 = arith.muli %scan3A_53, %mul3A_244 : i32
      %add3A_246 = arith.constant 10 : i32
      %add3A_247 = arith.addi %mul3A_245, %add3A_246 : i32
      %dma_start3A_248 = arith.constant 0 : i32
      %dma_start3A_249 = tpu.memref_slice %arg10[%add3A_247, %dma_start3A_248] : memref<256x64xf32, #tpu.memory_space<vmem>> -> memref<1x64xf32, #tpu.memory_space<vmem>>
      %dma_start3A_250 = arith.constant 0 : i32
      %dma_start3A_251 = tpu.memref_slice %arg4[%squeeze3A_241, %squeeze3A_243, %dma_start3A_250] : memref<125000x8x64xf32, #tpu.memory_space<hbm>> -> memref<1x1x64xf32, #tpu.memory_space<hbm>>
      %dma_start3A_252 = tpu.memref_squeeze %dma_start3A_251 : memref<1x1x64xf32, #tpu.memory_space<hbm>> -> memref<1x64xf32, #tpu.memory_space<hbm>>
      %dma_start3A_253 = arith.constant 0 : i32
      %dma_start3A_254 = tpu.memref_slice %arg10[%add3A_247, %dma_start3A_253] : memref<256x64xf32, #tpu.memory_space<vmem>> -> memref<1x64xf32, #tpu.memory_space<vmem>>
      %dma_start3A_255 = arith.constant 0 : i32
      %dma_start3A_256 = tpu.memref_slice %arg4[%squeeze3A_241, %squeeze3A_243, %dma_start3A_255] : memref<125000x8x64xf32, #tpu.memory_space<hbm>> -> memref<1x1x64xf32, #tpu.memory_space<hbm>>
      %dma_start3A_257 = tpu.memref_squeeze %dma_start3A_256 : memref<1x1x64xf32, #tpu.memory_space<hbm>> -> memref<1x64xf32, #tpu.memory_space<hbm>>
      tpu.enqueue_dma source(%dma_start3A_257 : memref<1x64xf32, #tpu.memory_space<hbm>>) target(%dma_start3A_254 : memref<1x64xf32, #tpu.memory_space<vmem>>) target_semaphore(%arg12 : memref<!tpu.dma_semaphore, #tpu.memory_space<semaphore_mem>>)
      %slice3A_258 = vector.extract_strided_slice %shift_right_logical3A_60 {offsets = [11], sizes = [1], strides = [1]} : vector<16xi32> to vector<1xi32>
      %squeeze3A_259 = vector.extract %slice3A_258[0] : i32 from vector<1xi32>
      %slice3A_260 = vector.extract_strided_slice %and3A_62 {offsets = [11], sizes = [1], strides = [1]} : vector<16xi32> to vector<1xi32>
      %squeeze3A_261 = vector.extract %slice3A_260[0] : i32 from vector<1xi32>
      %mul3A_262 = arith.constant 16 : i32
      %mul3A_263 = arith.muli %scan3A_53, %mul3A_262 : i32
      %add3A_264 = arith.constant 11 : i32
      %add3A_265 = arith.addi %mul3A_263, %add3A_264 : i32
      %dma_start3A_266 = arith.constant 0 : i32
      %dma_start3A_267 = tpu.memref_slice %arg10[%add3A_265, %dma_start3A_266] : memref<256x64xf32, #tpu.memory_space<vmem>> -> memref<1x64xf32, #tpu.memory_space<vmem>>
      %dma_start3A_268 = arith.constant 0 : i32
      %dma_start3A_269 = tpu.memref_slice %arg4[%squeeze3A_259, %squeeze3A_261, %dma_start3A_268] : memref<125000x8x64xf32, #tpu.memory_space<hbm>> -> memref<1x1x64xf32, #tpu.memory_space<hbm>>
      %dma_start3A_270 = tpu.memref_squeeze %dma_start3A_269 : memref<1x1x64xf32, #tpu.memory_space<hbm>> -> memref<1x64xf32, #tpu.memory_space<hbm>>
      %dma_start3A_271 = arith.constant 0 : i32
      %dma_start3A_272 = tpu.memref_slice %arg10[%add3A_265, %dma_start3A_271] : memref<256x64xf32, #tpu.memory_space<vmem>> -> memref<1x64xf32, #tpu.memory_space<vmem>>
      %dma_start3A_273 = arith.constant 0 : i32
      %dma_start3A_274 = tpu.memref_slice %arg4[%squeeze3A_259, %squeeze3A_261, %dma_start3A_273] : memref<125000x8x64xf32, #tpu.memory_space<hbm>> -> memref<1x1x64xf32, #tpu.memory_space<hbm>>
      %dma_start3A_275 = tpu.memref_squeeze %dma_start3A_274 : memref<1x1x64xf32, #tpu.memory_space<hbm>> -> memref<1x64xf32, #tpu.memory_space<hbm>>
      tpu.enqueue_dma source(%dma_start3A_275 : memref<1x64xf32, #tpu.memory_space<hbm>>) target(%dma_start3A_272 : memref<1x64xf32, #tpu.memory_space<vmem>>) target_semaphore(%arg12 : memref<!tpu.dma_semaphore, #tpu.memory_space<semaphore_mem>>)
      %slice3A_276 = vector.extract_strided_slice %shift_right_logical3A_60 {offsets = [12], sizes = [1], strides = [1]} : vector<16xi32> to vector<1xi32>
      %squeeze3A_277 = vector.extract %slice3A_276[0] : i32 from vector<1xi32>
      %slice3A_278 = vector.extract_strided_slice %and3A_62 {offsets = [12], sizes = [1], strides = [1]} : vector<16xi32> to vector<1xi32>
      %squeeze3A_279 = vector.extract %slice3A_278[0] : i32 from vector<1xi32>
      %mul3A_280 = arith.constant 16 : i32
      %mul3A_281 = arith.muli %scan3A_53, %mul3A_280 : i32
      %add3A_282 = arith.constant 12 : i32
      %add3A_283 = arith.addi %mul3A_281, %add3A_282 : i32
      %dma_start3A_284 = arith.constant 0 : i32
      %dma_start3A_285 = tpu.memref_slice %arg10[%add3A_283, %dma_start3A_284] : memref<256x64xf32, #tpu.memory_space<vmem>> -> memref<1x64xf32, #tpu.memory_space<vmem>>
      %dma_start3A_286 = arith.constant 0 : i32
      %dma_start3A_287 = tpu.memref_slice %arg4[%squeeze3A_277, %squeeze3A_279, %dma_start3A_286] : memref<125000x8x64xf32, #tpu.memory_space<hbm>> -> memref<1x1x64xf32, #tpu.memory_space<hbm>>
      %dma_start3A_288 = tpu.memref_squeeze %dma_start3A_287 : memref<1x1x64xf32, #tpu.memory_space<hbm>> -> memref<1x64xf32, #tpu.memory_space<hbm>>
      %dma_start3A_289 = arith.constant 0 : i32
      %dma_start3A_290 = tpu.memref_slice %arg10[%add3A_283, %dma_start3A_289] : memref<256x64xf32, #tpu.memory_space<vmem>> -> memref<1x64xf32, #tpu.memory_space<vmem>>
      %dma_start3A_291 = arith.constant 0 : i32
      %dma_start3A_292 = tpu.memref_slice %arg4[%squeeze3A_277, %squeeze3A_279, %dma_start3A_291] : memref<125000x8x64xf32, #tpu.memory_space<hbm>> -> memref<1x1x64xf32, #tpu.memory_space<hbm>>
      %dma_start3A_293 = tpu.memref_squeeze %dma_start3A_292 : memref<1x1x64xf32, #tpu.memory_space<hbm>> -> memref<1x64xf32, #tpu.memory_space<hbm>>
      tpu.enqueue_dma source(%dma_start3A_293 : memref<1x64xf32, #tpu.memory_space<hbm>>) target(%dma_start3A_290 : memref<1x64xf32, #tpu.memory_space<vmem>>) target_semaphore(%arg12 : memref<!tpu.dma_semaphore, #tpu.memory_space<semaphore_mem>>)
      %slice3A_294 = vector.extract_strided_slice %shift_right_logical3A_60 {offsets = [13], sizes = [1], strides = [1]} : vector<16xi32> to vector<1xi32>
      %squeeze3A_295 = vector.extract %slice3A_294[0] : i32 from vector<1xi32>
      %slice3A_296 = vector.extract_strided_slice %and3A_62 {offsets = [13], sizes = [1], strides = [1]} : vector<16xi32> to vector<1xi32>
      %squeeze3A_297 = vector.extract %slice3A_296[0] : i32 from vector<1xi32>
      %mul3A_298 = arith.constant 16 : i32
      %mul3A_299 = arith.muli %scan3A_53, %mul3A_298 : i32
      %add3A_300 = arith.constant 13 : i32
      %add3A_301 = arith.addi %mul3A_299, %add3A_300 : i32
      %dma_start3A_302 = arith.constant 0 : i32
      %dma_start3A_303 = tpu.memref_slice %arg10[%add3A_301, %dma_start3A_302] : memref<256x64xf32, #tpu.memory_space<vmem>> -> memref<1x64xf32, #tpu.memory_space<vmem>>
      %dma_start3A_304 = arith.constant 0 : i32
      %dma_start3A_305 = tpu.memref_slice %arg4[%squeeze3A_295, %squeeze3A_297, %dma_start3A_304] : memref<125000x8x64xf32, #tpu.memory_space<hbm>> -> memref<1x1x64xf32, #tpu.memory_space<hbm>>
      %dma_start3A_306 = tpu.memref_squeeze %dma_start3A_305 : memref<1x1x64xf32, #tpu.memory_space<hbm>> -> memref<1x64xf32, #tpu.memory_space<hbm>>
      %dma_start3A_307 = arith.constant 0 : i32
      %dma_start3A_308 = tpu.memref_slice %arg10[%add3A_301, %dma_start3A_307] : memref<256x64xf32, #tpu.memory_space<vmem>> -> memref<1x64xf32, #tpu.memory_space<vmem>>
      %dma_start3A_309 = arith.constant 0 : i32
      %dma_start3A_310 = tpu.memref_slice %arg4[%squeeze3A_295, %squeeze3A_297, %dma_start3A_309] : memref<125000x8x64xf32, #tpu.memory_space<hbm>> -> memref<1x1x64xf32, #tpu.memory_space<hbm>>
      %dma_start3A_311 = tpu.memref_squeeze %dma_start3A_310 : memref<1x1x64xf32, #tpu.memory_space<hbm>> -> memref<1x64xf32, #tpu.memory_space<hbm>>
      tpu.enqueue_dma source(%dma_start3A_311 : memref<1x64xf32, #tpu.memory_space<hbm>>) target(%dma_start3A_308 : memref<1x64xf32, #tpu.memory_space<vmem>>) target_semaphore(%arg12 : memref<!tpu.dma_semaphore, #tpu.memory_space<semaphore_mem>>)
      %slice3A_312 = vector.extract_strided_slice %shift_right_logical3A_60 {offsets = [14], sizes = [1], strides = [1]} : vector<16xi32> to vector<1xi32>
      %squeeze3A_313 = vector.extract %slice3A_312[0] : i32 from vector<1xi32>
      %slice3A_314 = vector.extract_strided_slice %and3A_62 {offsets = [14], sizes = [1], strides = [1]} : vector<16xi32> to vector<1xi32>
      %squeeze3A_315 = vector.extract %slice3A_314[0] : i32 from vector<1xi32>
      %mul3A_316 = arith.constant 16 : i32
      %mul3A_317 = arith.muli %scan3A_53, %mul3A_316 : i32
      %add3A_318 = arith.constant 14 : i32
      %add3A_319 = arith.addi %mul3A_317, %add3A_318 : i32
      %dma_start3A_320 = arith.constant 0 : i32
      %dma_start3A_321 = tpu.memref_slice %arg10[%add3A_319, %dma_start3A_320] : memref<256x64xf32, #tpu.memory_space<vmem>> -> memref<1x64xf32, #tpu.memory_space<vmem>>
      %dma_start3A_322 = arith.constant 0 : i32
      %dma_start3A_323 = tpu.memref_slice %arg4[%squeeze3A_313, %squeeze3A_315, %dma_start3A_322] : memref<125000x8x64xf32, #tpu.memory_space<hbm>> -> memref<1x1x64xf32, #tpu.memory_space<hbm>>
      %dma_start3A_324 = tpu.memref_squeeze %dma_start3A_323 : memref<1x1x64xf32, #tpu.memory_space<hbm>> -> memref<1x64xf32, #tpu.memory_space<hbm>>
      %dma_start3A_325 = arith.constant 0 : i32
      %dma_start3A_326 = tpu.memref_slice %arg10[%add3A_319, %dma_start3A_325] : memref<256x64xf32, #tpu.memory_space<vmem>> -> memref<1x64xf32, #tpu.memory_space<vmem>>
      %dma_start3A_327 = arith.constant 0 : i32
      %dma_start3A_328 = tpu.memref_slice %arg4[%squeeze3A_313, %squeeze3A_315, %dma_start3A_327] : memref<125000x8x64xf32, #tpu.memory_space<hbm>> -> memref<1x1x64xf32, #tpu.memory_space<hbm>>
      %dma_start3A_329 = tpu.memref_squeeze %dma_start3A_328 : memref<1x1x64xf32, #tpu.memory_space<hbm>> -> memref<1x64xf32, #tpu.memory_space<hbm>>
      tpu.enqueue_dma source(%dma_start3A_329 : memref<1x64xf32, #tpu.memory_space<hbm>>) target(%dma_start3A_326 : memref<1x64xf32, #tpu.memory_space<vmem>>) target_semaphore(%arg12 : memref<!tpu.dma_semaphore, #tpu.memory_space<semaphore_mem>>)
      %slice3A_330 = vector.extract_strided_slice %shift_right_logical3A_60 {offsets = [15], sizes = [1], strides = [1]} : vector<16xi32> to vector<1xi32>
      %squeeze3A_331 = vector.extract %slice3A_330[0] : i32 from vector<1xi32>
      %slice3A_332 = vector.extract_strided_slice %and3A_62 {offsets = [15], sizes = [1], strides = [1]} : vector<16xi32> to vector<1xi32>
      %squeeze3A_333 = vector.extract %slice3A_332[0] : i32 from vector<1xi32>
      %mul3A_334 = arith.constant 16 : i32
      %mul3A_335 = arith.muli %scan3A_53, %mul3A_334 : i32
      %add3A_336 = arith.constant 15 : i32
      %add3A_337 = arith.addi %mul3A_335, %add3A_336 : i32
      %dma_start3A_338 = arith.constant 0 : i32
      %dma_start3A_339 = tpu.memref_slice %arg10[%add3A_337, %dma_start3A_338] : memref<256x64xf32, #tpu.memory_space<vmem>> -> memref<1x64xf32, #tpu.memory_space<vmem>>
      %dma_start3A_340 = arith.constant 0 : i32
      %dma_start3A_341 = tpu.memref_slice %arg4[%squeeze3A_331, %squeeze3A_333, %dma_start3A_340] : memref<125000x8x64xf32, #tpu.memory_space<hbm>> -> memref<1x1x64xf32, #tpu.memory_space<hbm>>
      %dma_start3A_342 = tpu.memref_squeeze %dma_start3A_341 : memref<1x1x64xf32, #tpu.memory_space<hbm>> -> memref<1x64xf32, #tpu.memory_space<hbm>>
      %dma_start3A_343 = arith.constant 0 : i32
      %dma_start3A_344 = tpu.memref_slice %arg10[%add3A_337, %dma_start3A_343] : memref<256x64xf32, #tpu.memory_space<vmem>> -> memref<1x64xf32, #tpu.memory_space<vmem>>
      %dma_start3A_345 = arith.constant 0 : i32
      %dma_start3A_346 = tpu.memref_slice %arg4[%squeeze3A_331, %squeeze3A_333, %dma_start3A_345] : memref<125000x8x64xf32, #tpu.memory_space<hbm>> -> memref<1x1x64xf32, #tpu.memory_space<hbm>>
      %dma_start3A_347 = tpu.memref_squeeze %dma_start3A_346 : memref<1x1x64xf32, #tpu.memory_space<hbm>> -> memref<1x64xf32, #tpu.memory_space<hbm>>
      tpu.enqueue_dma source(%dma_start3A_347 : memref<1x64xf32, #tpu.memory_space<hbm>>) target(%dma_start3A_344 : memref<1x64xf32, #tpu.memory_space<vmem>>) target_semaphore(%arg12 : memref<!tpu.dma_semaphore, #tpu.memory_space<semaphore_mem>>)
    }
    %scan3A_6 = arith.constant 16 : i32
    %scan3A_7 = arith.constant 0 : i32
    %scan3A_8 = arith.constant 16 : i32
    %scan3A_9 = arith.addi %scan3A_7, %scan3A_8 : i32
    %scan3A_10 = arith.constant 1 : i32
    scf.for %scan3A_53 = %scan3A_7 to %scan3A_9 step %scan3A_10  : i32 {
      %mul3A_54 = arith.constant 16 : i32
      %mul3A_55 = arith.muli %scan3A_53, %mul3A_54 : i32
      %add3A_56 = arith.constant 256 : i32
      %add3A_57 = arith.addi %add3A_56, %mul3A_55 : i32
      %get3A = arith.index_cast %add3A_57 : i32 to index
      %get3A_58 = tpu.vector_load %arg8[%get3A] {strides = array<i32>} : memref<512xi32, #tpu.memory_space<vmem>>, vector<16xi32>,
      %shift_right_logical3A = arith.constant 3 : i32
      %shift_right_logical3A_59 = vector.broadcast %shift_right_logical3A : i32 to vector<16xi32>
      %shift_right_logical3A_60 = arith.shrui %get3A_58, %shift_right_logical3A_59 : vector<16xi32>
      %and3A = arith.constant 7 : i32
      %and3A_61 = vector.broadcast %and3A : i32 to vector<16xi32>
      %and3A_62 = arith.andi %get3A_58, %and3A_61 : vector<16xi32>
      %slice3A = vector.extract_strided_slice %shift_right_logical3A_60 {offsets = [0], sizes = [1], strides = [1]} : vector<16xi32> to vector<1xi32>
      %squeeze3A = vector.extract %slice3A[0] : i32 from vector<1xi32>
      %slice3A_63 = vector.extract_strided_slice %and3A_62 {offsets = [0], sizes = [1], strides = [1]} : vector<16xi32> to vector<1xi32>
      %squeeze3A_64 = vector.extract %slice3A_63[0] : i32 from vector<1xi32>
      %mul3A_65 = arith.constant 16 : i32
      %mul3A_66 = arith.muli %scan3A_53, %mul3A_65 : i32
      %add3A_67 = arith.constant 0 : i32
      %add3A_68 = arith.addi %mul3A_66, %add3A_67 : i32
      %dma_start3A = arith.constant 0 : i32
      %dma_start3A_69 = tpu.memref_slice %arg11[%add3A_68, %dma_start3A] : memref<256x64xf32, #tpu.memory_space<vmem>> -> memref<1x64xf32, #tpu.memory_space<vmem>>
      %dma_start3A_70 = arith.constant 0 : i32
      %dma_start3A_71 = tpu.memref_slice %arg4[%squeeze3A, %squeeze3A_64, %dma_start3A_70] : memref<125000x8x64xf32, #tpu.memory_space<hbm>> -> memref<1x1x64xf32, #tpu.memory_space<hbm>>
      %dma_start3A_72 = tpu.memref_squeeze %dma_start3A_71 : memref<1x1x64xf32, #tpu.memory_space<hbm>> -> memref<1x64xf32, #tpu.memory_space<hbm>>
      %dma_start3A_73 = arith.constant 0 : i32
      %dma_start3A_74 = tpu.memref_slice %arg11[%add3A_68, %dma_start3A_73] : memref<256x64xf32, #tpu.memory_space<vmem>> -> memref<1x64xf32, #tpu.memory_space<vmem>>
      %dma_start3A_75 = arith.constant 0 : i32
      %dma_start3A_76 = tpu.memref_slice %arg4[%squeeze3A, %squeeze3A_64, %dma_start3A_75] : memref<125000x8x64xf32, #tpu.memory_space<hbm>> -> memref<1x1x64xf32, #tpu.memory_space<hbm>>
      %dma_start3A_77 = tpu.memref_squeeze %dma_start3A_76 : memref<1x1x64xf32, #tpu.memory_space<hbm>> -> memref<1x64xf32, #tpu.memory_space<hbm>>
      tpu.enqueue_dma source(%dma_start3A_77 : memref<1x64xf32, #tpu.memory_space<hbm>>) target(%dma_start3A_74 : memref<1x64xf32, #tpu.memory_space<vmem>>) target_semaphore(%arg13 : memref<!tpu.dma_semaphore, #tpu.memory_space<semaphore_mem>>)
      %slice3A_78 = vector.extract_strided_slice %shift_right_logical3A_60 {offsets = [1], sizes = [1], strides = [1]} : vector<16xi32> to vector<1xi32>
      %squeeze3A_79 = vector.extract %slice3A_78[0] : i32 from vector<1xi32>
      %slice3A_80 = vector.extract_strided_slice %and3A_62 {offsets = [1], sizes = [1], strides = [1]} : vector<16xi32> to vector<1xi32>
      %squeeze3A_81 = vector.extract %slice3A_80[0] : i32 from vector<1xi32>
      %mul3A_82 = arith.constant 16 : i32
      %mul3A_83 = arith.muli %scan3A_53, %mul3A_82 : i32
      %add3A_84 = arith.constant 1 : i32
      %add3A_85 = arith.addi %mul3A_83, %add3A_84 : i32
      %dma_start3A_86 = arith.constant 0 : i32
      %dma_start3A_87 = tpu.memref_slice %arg11[%add3A_85, %dma_start3A_86] : memref<256x64xf32, #tpu.memory_space<vmem>> -> memref<1x64xf32, #tpu.memory_space<vmem>>
      %dma_start3A_88 = arith.constant 0 : i32
      %dma_start3A_89 = tpu.memref_slice %arg4[%squeeze3A_79, %squeeze3A_81, %dma_start3A_88] : memref<125000x8x64xf32, #tpu.memory_space<hbm>> -> memref<1x1x64xf32, #tpu.memory_space<hbm>>
      %dma_start3A_90 = tpu.memref_squeeze %dma_start3A_89 : memref<1x1x64xf32, #tpu.memory_space<hbm>> -> memref<1x64xf32, #tpu.memory_space<hbm>>
      %dma_start3A_91 = arith.constant 0 : i32
      %dma_start3A_92 = tpu.memref_slice %arg11[%add3A_85, %dma_start3A_91] : memref<256x64xf32, #tpu.memory_space<vmem>> -> memref<1x64xf32, #tpu.memory_space<vmem>>
      %dma_start3A_93 = arith.constant 0 : i32
      %dma_start3A_94 = tpu.memref_slice %arg4[%squeeze3A_79, %squeeze3A_81, %dma_start3A_93] : memref<125000x8x64xf32, #tpu.memory_space<hbm>> -> memref<1x1x64xf32, #tpu.memory_space<hbm>>
      %dma_start3A_95 = tpu.memref_squeeze %dma_start3A_94 : memref<1x1x64xf32, #tpu.memory_space<hbm>> -> memref<1x64xf32, #tpu.memory_space<hbm>>
      tpu.enqueue_dma source(%dma_start3A_95 : memref<1x64xf32, #tpu.memory_space<hbm>>) target(%dma_start3A_92 : memref<1x64xf32, #tpu.memory_space<vmem>>) target_semaphore(%arg13 : memref<!tpu.dma_semaphore, #tpu.memory_space<semaphore_mem>>)
      %slice3A_96 = vector.extract_strided_slice %shift_right_logical3A_60 {offsets = [2], sizes = [1], strides = [1]} : vector<16xi32> to vector<1xi32>
      %squeeze3A_97 = vector.extract %slice3A_96[0] : i32 from vector<1xi32>
      %slice3A_98 = vector.extract_strided_slice %and3A_62 {offsets = [2], sizes = [1], strides = [1]} : vector<16xi32> to vector<1xi32>
      %squeeze3A_99 = vector.extract %slice3A_98[0] : i32 from vector<1xi32>
      %mul3A_100 = arith.constant 16 : i32
      %mul3A_101 = arith.muli %scan3A_53, %mul3A_100 : i32
      %add3A_102 = arith.constant 2 : i32
      %add3A_103 = arith.addi %mul3A_101, %add3A_102 : i32
      %dma_start3A_104 = arith.constant 0 : i32
      %dma_start3A_105 = tpu.memref_slice %arg11[%add3A_103, %dma_start3A_104] : memref<256x64xf32, #tpu.memory_space<vmem>> -> memref<1x64xf32, #tpu.memory_space<vmem>>
      %dma_start3A_106 = arith.constant 0 : i32
      %dma_start3A_107 = tpu.memref_slice %arg4[%squeeze3A_97, %squeeze3A_99, %dma_start3A_106] : memref<125000x8x64xf32, #tpu.memory_space<hbm>> -> memref<1x1x64xf32, #tpu.memory_space<hbm>>
      %dma_start3A_108 = tpu.memref_squeeze %dma_start3A_107 : memref<1x1x64xf32, #tpu.memory_space<hbm>> -> memref<1x64xf32, #tpu.memory_space<hbm>>
      %dma_start3A_109 = arith.constant 0 : i32
      %dma_start3A_110 = tpu.memref_slice %arg11[%add3A_103, %dma_start3A_109] : memref<256x64xf32, #tpu.memory_space<vmem>> -> memref<1x64xf32, #tpu.memory_space<vmem>>
      %dma_start3A_111 = arith.constant 0 : i32
      %dma_start3A_112 = tpu.memref_slice %arg4[%squeeze3A_97, %squeeze3A_99, %dma_start3A_111] : memref<125000x8x64xf32, #tpu.memory_space<hbm>> -> memref<1x1x64xf32, #tpu.memory_space<hbm>>
      %dma_start3A_113 = tpu.memref_squeeze %dma_start3A_112 : memref<1x1x64xf32, #tpu.memory_space<hbm>> -> memref<1x64xf32, #tpu.memory_space<hbm>>
      tpu.enqueue_dma source(%dma_start3A_113 : memref<1x64xf32, #tpu.memory_space<hbm>>) target(%dma_start3A_110 : memref<1x64xf32, #tpu.memory_space<vmem>>) target_semaphore(%arg13 : memref<!tpu.dma_semaphore, #tpu.memory_space<semaphore_mem>>)
      %slice3A_114 = vector.extract_strided_slice %shift_right_logical3A_60 {offsets = [3], sizes = [1], strides = [1]} : vector<16xi32> to vector<1xi32>
      %squeeze3A_115 = vector.extract %slice3A_114[0] : i32 from vector<1xi32>
      %slice3A_116 = vector.extract_strided_slice %and3A_62 {offsets = [3], sizes = [1], strides = [1]} : vector<16xi32> to vector<1xi32>
      %squeeze3A_117 = vector.extract %slice3A_116[0] : i32 from vector<1xi32>
      %mul3A_118 = arith.constant 16 : i32
      %mul3A_119 = arith.muli %scan3A_53, %mul3A_118 : i32
      %add3A_120 = arith.constant 3 : i32
      %add3A_121 = arith.addi %mul3A_119, %add3A_120 : i32
      %dma_start3A_122 = arith.constant 0 : i32
      %dma_start3A_123 = tpu.memref_slice %arg11[%add3A_121, %dma_start3A_122] : memref<256x64xf32, #tpu.memory_space<vmem>> -> memref<1x64xf32, #tpu.memory_space<vmem>>
      %dma_start3A_124 = arith.constant 0 : i32
      %dma_start3A_125 = tpu.memref_slice %arg4[%squeeze3A_115, %squeeze3A_117, %dma_start3A_124] : memref<125000x8x64xf32, #tpu.memory_space<hbm>> -> memref<1x1x64xf32, #tpu.memory_space<hbm>>
      %dma_start3A_126 = tpu.memref_squeeze %dma_start3A_125 : memref<1x1x64xf32, #tpu.memory_space<hbm>> -> memref<1x64xf32, #tpu.memory_space<hbm>>
      %dma_start3A_127 = arith.constant 0 : i32
      %dma_start3A_128 = tpu.memref_slice %arg11[%add3A_121, %dma_start3A_127] : memref<256x64xf32, #tpu.memory_space<vmem>> -> memref<1x64xf32, #tpu.memory_space<vmem>>
      %dma_start3A_129 = arith.constant 0 : i32
      %dma_start3A_130 = tpu.memref_slice %arg4[%squeeze3A_115, %squeeze3A_117, %dma_start3A_129] : memref<125000x8x64xf32, #tpu.memory_space<hbm>> -> memref<1x1x64xf32, #tpu.memory_space<hbm>>
      %dma_start3A_131 = tpu.memref_squeeze %dma_start3A_130 : memref<1x1x64xf32, #tpu.memory_space<hbm>> -> memref<1x64xf32, #tpu.memory_space<hbm>>
      tpu.enqueue_dma source(%dma_start3A_131 : memref<1x64xf32, #tpu.memory_space<hbm>>) target(%dma_start3A_128 : memref<1x64xf32, #tpu.memory_space<vmem>>) target_semaphore(%arg13 : memref<!tpu.dma_semaphore, #tpu.memory_space<semaphore_mem>>)
      %slice3A_132 = vector.extract_strided_slice %shift_right_logical3A_60 {offsets = [4], sizes = [1], strides = [1]} : vector<16xi32> to vector<1xi32>
      %squeeze3A_133 = vector.extract %slice3A_132[0] : i32 from vector<1xi32>
      %slice3A_134 = vector.extract_strided_slice %and3A_62 {offsets = [4], sizes = [1], strides = [1]} : vector<16xi32> to vector<1xi32>
      %squeeze3A_135 = vector.extract %slice3A_134[0] : i32 from vector<1xi32>
      %mul3A_136 = arith.constant 16 : i32
      %mul3A_137 = arith.muli %scan3A_53, %mul3A_136 : i32
      %add3A_138 = arith.constant 4 : i32
      %add3A_139 = arith.addi %mul3A_137, %add3A_138 : i32
      %dma_start3A_140 = arith.constant 0 : i32
      %dma_start3A_141 = tpu.memref_slice %arg11[%add3A_139, %dma_start3A_140] : memref<256x64xf32, #tpu.memory_space<vmem>> -> memref<1x64xf32, #tpu.memory_space<vmem>>
      %dma_start3A_142 = arith.constant 0 : i32
      %dma_start3A_143 = tpu.memref_slice %arg4[%squeeze3A_133, %squeeze3A_135, %dma_start3A_142] : memref<125000x8x64xf32, #tpu.memory_space<hbm>> -> memref<1x1x64xf32, #tpu.memory_space<hbm>>
      %dma_start3A_144 = tpu.memref_squeeze %dma_start3A_143 : memref<1x1x64xf32, #tpu.memory_space<hbm>> -> memref<1x64xf32, #tpu.memory_space<hbm>>
      %dma_start3A_145 = arith.constant 0 : i32
      %dma_start3A_146 = tpu.memref_slice %arg11[%add3A_139, %dma_start3A_145] : memref<256x64xf32, #tpu.memory_space<vmem>> -> memref<1x64xf32, #tpu.memory_space<vmem>>
      %dma_start3A_147 = arith.constant 0 : i32
      %dma_start3A_148 = tpu.memref_slice %arg4[%squeeze3A_133, %squeeze3A_135, %dma_start3A_147] : memref<125000x8x64xf32, #tpu.memory_space<hbm>> -> memref<1x1x64xf32, #tpu.memory_space<hbm>>
      %dma_start3A_149 = tpu.memref_squeeze %dma_start3A_148 : memref<1x1x64xf32, #tpu.memory_space<hbm>> -> memref<1x64xf32, #tpu.memory_space<hbm>>
      tpu.enqueue_dma source(%dma_start3A_149 : memref<1x64xf32, #tpu.memory_space<hbm>>) target(%dma_start3A_146 : memref<1x64xf32, #tpu.memory_space<vmem>>) target_semaphore(%arg13 : memref<!tpu.dma_semaphore, #tpu.memory_space<semaphore_mem>>)
      %slice3A_150 = vector.extract_strided_slice %shift_right_logical3A_60 {offsets = [5], sizes = [1], strides = [1]} : vector<16xi32> to vector<1xi32>
      %squeeze3A_151 = vector.extract %slice3A_150[0] : i32 from vector<1xi32>
      %slice3A_152 = vector.extract_strided_slice %and3A_62 {offsets = [5], sizes = [1], strides = [1]} : vector<16xi32> to vector<1xi32>
      %squeeze3A_153 = vector.extract %slice3A_152[0] : i32 from vector<1xi32>
      %mul3A_154 = arith.constant 16 : i32
      %mul3A_155 = arith.muli %scan3A_53, %mul3A_154 : i32
      %add3A_156 = arith.constant 5 : i32
      %add3A_157 = arith.addi %mul3A_155, %add3A_156 : i32
      %dma_start3A_158 = arith.constant 0 : i32
      %dma_start3A_159 = tpu.memref_slice %arg11[%add3A_157, %dma_start3A_158] : memref<256x64xf32, #tpu.memory_space<vmem>> -> memref<1x64xf32, #tpu.memory_space<vmem>>
      %dma_start3A_160 = arith.constant 0 : i32
      %dma_start3A_161 = tpu.memref_slice %arg4[%squeeze3A_151, %squeeze3A_153, %dma_start3A_160] : memref<125000x8x64xf32, #tpu.memory_space<hbm>> -> memref<1x1x64xf32, #tpu.memory_space<hbm>>
      %dma_start3A_162 = tpu.memref_squeeze %dma_start3A_161 : memref<1x1x64xf32, #tpu.memory_space<hbm>> -> memref<1x64xf32, #tpu.memory_space<hbm>>
      %dma_start3A_163 = arith.constant 0 : i32
      %dma_start3A_164 = tpu.memref_slice %arg11[%add3A_157, %dma_start3A_163] : memref<256x64xf32, #tpu.memory_space<vmem>> -> memref<1x64xf32, #tpu.memory_space<vmem>>
      %dma_start3A_165 = arith.constant 0 : i32
      %dma_start3A_166 = tpu.memref_slice %arg4[%squeeze3A_151, %squeeze3A_153, %dma_start3A_165] : memref<125000x8x64xf32, #tpu.memory_space<hbm>> -> memref<1x1x64xf32, #tpu.memory_space<hbm>>
      %dma_start3A_167 = tpu.memref_squeeze %dma_start3A_166 : memref<1x1x64xf32, #tpu.memory_space<hbm>> -> memref<1x64xf32, #tpu.memory_space<hbm>>
      tpu.enqueue_dma source(%dma_start3A_167 : memref<1x64xf32, #tpu.memory_space<hbm>>) target(%dma_start3A_164 : memref<1x64xf32, #tpu.memory_space<vmem>>) target_semaphore(%arg13 : memref<!tpu.dma_semaphore, #tpu.memory_space<semaphore_mem>>)
      %slice3A_168 = vector.extract_strided_slice %shift_right_logical3A_60 {offsets = [6], sizes = [1], strides = [1]} : vector<16xi32> to vector<1xi32>
      %squeeze3A_169 = vector.extract %slice3A_168[0] : i32 from vector<1xi32>
      %slice3A_170 = vector.extract_strided_slice %and3A_62 {offsets = [6], sizes = [1], strides = [1]} : vector<16xi32> to vector<1xi32>
      %squeeze3A_171 = vector.extract %slice3A_170[0] : i32 from vector<1xi32>
      %mul3A_172 = arith.constant 16 : i32
      %mul3A_173 = arith.muli %scan3A_53, %mul3A_172 : i32
      %add3A_174 = arith.constant 6 : i32
      %add3A_175 = arith.addi %mul3A_173, %add3A_174 : i32
      %dma_start3A_176 = arith.constant 0 : i32
      %dma_start3A_177 = tpu.memref_slice %arg11[%add3A_175, %dma_start3A_176] : memref<256x64xf32, #tpu.memory_space<vmem>> -> memref<1x64xf32, #tpu.memory_space<vmem>>
      %dma_start3A_178 = arith.constant 0 : i32
      %dma_start3A_179 = tpu.memref_slice %arg4[%squeeze3A_169, %squeeze3A_171, %dma_start3A_178] : memref<125000x8x64xf32, #tpu.memory_space<hbm>> -> memref<1x1x64xf32, #tpu.memory_space<hbm>>
      %dma_start3A_180 = tpu.memref_squeeze %dma_start3A_179 : memref<1x1x64xf32, #tpu.memory_space<hbm>> -> memref<1x64xf32, #tpu.memory_space<hbm>>
      %dma_start3A_181 = arith.constant 0 : i32
      %dma_start3A_182 = tpu.memref_slice %arg11[%add3A_175, %dma_start3A_181] : memref<256x64xf32, #tpu.memory_space<vmem>> -> memref<1x64xf32, #tpu.memory_space<vmem>>
      %dma_start3A_183 = arith.constant 0 : i32
      %dma_start3A_184 = tpu.memref_slice %arg4[%squeeze3A_169, %squeeze3A_171, %dma_start3A_183] : memref<125000x8x64xf32, #tpu.memory_space<hbm>> -> memref<1x1x64xf32, #tpu.memory_space<hbm>>
      %dma_start3A_185 = tpu.memref_squeeze %dma_start3A_184 : memref<1x1x64xf32, #tpu.memory_space<hbm>> -> memref<1x64xf32, #tpu.memory_space<hbm>>
      tpu.enqueue_dma source(%dma_start3A_185 : memref<1x64xf32, #tpu.memory_space<hbm>>) target(%dma_start3A_182 : memref<1x64xf32, #tpu.memory_space<vmem>>) target_semaphore(%arg13 : memref<!tpu.dma_semaphore, #tpu.memory_space<semaphore_mem>>)
      %slice3A_186 = vector.extract_strided_slice %shift_right_logical3A_60 {offsets = [7], sizes = [1], strides = [1]} : vector<16xi32> to vector<1xi32>
      %squeeze3A_187 = vector.extract %slice3A_186[0] : i32 from vector<1xi32>
      %slice3A_188 = vector.extract_strided_slice %and3A_62 {offsets = [7], sizes = [1], strides = [1]} : vector<16xi32> to vector<1xi32>
      %squeeze3A_189 = vector.extract %slice3A_188[0] : i32 from vector<1xi32>
      %mul3A_190 = arith.constant 16 : i32
      %mul3A_191 = arith.muli %scan3A_53, %mul3A_190 : i32
      %add3A_192 = arith.constant 7 : i32
      %add3A_193 = arith.addi %mul3A_191, %add3A_192 : i32
      %dma_start3A_194 = arith.constant 0 : i32
      %dma_start3A_195 = tpu.memref_slice %arg11[%add3A_193, %dma_start3A_194] : memref<256x64xf32, #tpu.memory_space<vmem>> -> memref<1x64xf32, #tpu.memory_space<vmem>>
      %dma_start3A_196 = arith.constant 0 : i32
      %dma_start3A_197 = tpu.memref_slice %arg4[%squeeze3A_187, %squeeze3A_189, %dma_start3A_196] : memref<125000x8x64xf32, #tpu.memory_space<hbm>> -> memref<1x1x64xf32, #tpu.memory_space<hbm>>
      %dma_start3A_198 = tpu.memref_squeeze %dma_start3A_197 : memref<1x1x64xf32, #tpu.memory_space<hbm>> -> memref<1x64xf32, #tpu.memory_space<hbm>>
      %dma_start3A_199 = arith.constant 0 : i32
      %dma_start3A_200 = tpu.memref_slice %arg11[%add3A_193, %dma_start3A_199] : memref<256x64xf32, #tpu.memory_space<vmem>> -> memref<1x64xf32, #tpu.memory_space<vmem>>
      %dma_start3A_201 = arith.constant 0 : i32
      %dma_start3A_202 = tpu.memref_slice %arg4[%squeeze3A_187, %squeeze3A_189, %dma_start3A_201] : memref<125000x8x64xf32, #tpu.memory_space<hbm>> -> memref<1x1x64xf32, #tpu.memory_space<hbm>>
      %dma_start3A_203 = tpu.memref_squeeze %dma_start3A_202 : memref<1x1x64xf32, #tpu.memory_space<hbm>> -> memref<1x64xf32, #tpu.memory_space<hbm>>
      tpu.enqueue_dma source(%dma_start3A_203 : memref<1x64xf32, #tpu.memory_space<hbm>>) target(%dma_start3A_200 : memref<1x64xf32, #tpu.memory_space<vmem>>) target_semaphore(%arg13 : memref<!tpu.dma_semaphore, #tpu.memory_space<semaphore_mem>>)
      %slice3A_204 = vector.extract_strided_slice %shift_right_logical3A_60 {offsets = [8], sizes = [1], strides = [1]} : vector<16xi32> to vector<1xi32>
      %squeeze3A_205 = vector.extract %slice3A_204[0] : i32 from vector<1xi32>
      %slice3A_206 = vector.extract_strided_slice %and3A_62 {offsets = [8], sizes = [1], strides = [1]} : vector<16xi32> to vector<1xi32>
      %squeeze3A_207 = vector.extract %slice3A_206[0] : i32 from vector<1xi32>
      %mul3A_208 = arith.constant 16 : i32
      %mul3A_209 = arith.muli %scan3A_53, %mul3A_208 : i32
      %add3A_210 = arith.constant 8 : i32
      %add3A_211 = arith.addi %mul3A_209, %add3A_210 : i32
      %dma_start3A_212 = arith.constant 0 : i32
      %dma_start3A_213 = tpu.memref_slice %arg11[%add3A_211, %dma_start3A_212] : memref<256x64xf32, #tpu.memory_space<vmem>> -> memref<1x64xf32, #tpu.memory_space<vmem>>
      %dma_start3A_214 = arith.constant 0 : i32
      %dma_start3A_215 = tpu.memref_slice %arg4[%squeeze3A_205, %squeeze3A_207, %dma_start3A_214] : memref<125000x8x64xf32, #tpu.memory_space<hbm>> -> memref<1x1x64xf32, #tpu.memory_space<hbm>>
      %dma_start3A_216 = tpu.memref_squeeze %dma_start3A_215 : memref<1x1x64xf32, #tpu.memory_space<hbm>> -> memref<1x64xf32, #tpu.memory_space<hbm>>
      %dma_start3A_217 = arith.constant 0 : i32
      %dma_start3A_218 = tpu.memref_slice %arg11[%add3A_211, %dma_start3A_217] : memref<256x64xf32, #tpu.memory_space<vmem>> -> memref<1x64xf32, #tpu.memory_space<vmem>>
      %dma_start3A_219 = arith.constant 0 : i32
      %dma_start3A_220 = tpu.memref_slice %arg4[%squeeze3A_205, %squeeze3A_207, %dma_start3A_219] : memref<125000x8x64xf32, #tpu.memory_space<hbm>> -> memref<1x1x64xf32, #tpu.memory_space<hbm>>
      %dma_start3A_221 = tpu.memref_squeeze %dma_start3A_220 : memref<1x1x64xf32, #tpu.memory_space<hbm>> -> memref<1x64xf32, #tpu.memory_space<hbm>>
      tpu.enqueue_dma source(%dma_start3A_221 : memref<1x64xf32, #tpu.memory_space<hbm>>) target(%dma_start3A_218 : memref<1x64xf32, #tpu.memory_space<vmem>>) target_semaphore(%arg13 : memref<!tpu.dma_semaphore, #tpu.memory_space<semaphore_mem>>)
      %slice3A_222 = vector.extract_strided_slice %shift_right_logical3A_60 {offsets = [9], sizes = [1], strides = [1]} : vector<16xi32> to vector<1xi32>
      %squeeze3A_223 = vector.extract %slice3A_222[0] : i32 from vector<1xi32>
      %slice3A_224 = vector.extract_strided_slice %and3A_62 {offsets = [9], sizes = [1], strides = [1]} : vector<16xi32> to vector<1xi32>
      %squeeze3A_225 = vector.extract %slice3A_224[0] : i32 from vector<1xi32>
      %mul3A_226 = arith.constant 16 : i32
      %mul3A_227 = arith.muli %scan3A_53, %mul3A_226 : i32
      %add3A_228 = arith.constant 9 : i32
      %add3A_229 = arith.addi %mul3A_227, %add3A_228 : i32
      %dma_start3A_230 = arith.constant 0 : i32
      %dma_start3A_231 = tpu.memref_slice %arg11[%add3A_229, %dma_start3A_230] : memref<256x64xf32, #tpu.memory_space<vmem>> -> memref<1x64xf32, #tpu.memory_space<vmem>>
      %dma_start3A_232 = arith.constant 0 : i32
      %dma_start3A_233 = tpu.memref_slice %arg4[%squeeze3A_223, %squeeze3A_225, %dma_start3A_232] : memref<125000x8x64xf32, #tpu.memory_space<hbm>> -> memref<1x1x64xf32, #tpu.memory_space<hbm>>
      %dma_start3A_234 = tpu.memref_squeeze %dma_start3A_233 : memref<1x1x64xf32, #tpu.memory_space<hbm>> -> memref<1x64xf32, #tpu.memory_space<hbm>>
      %dma_start3A_235 = arith.constant 0 : i32
      %dma_start3A_236 = tpu.memref_slice %arg11[%add3A_229, %dma_start3A_235] : memref<256x64xf32, #tpu.memory_space<vmem>> -> memref<1x64xf32, #tpu.memory_space<vmem>>
      %dma_start3A_237 = arith.constant 0 : i32
      %dma_start3A_238 = tpu.memref_slice %arg4[%squeeze3A_223, %squeeze3A_225, %dma_start3A_237] : memref<125000x8x64xf32, #tpu.memory_space<hbm>> -> memref<1x1x64xf32, #tpu.memory_space<hbm>>
      %dma_start3A_239 = tpu.memref_squeeze %dma_start3A_238 : memref<1x1x64xf32, #tpu.memory_space<hbm>> -> memref<1x64xf32, #tpu.memory_space<hbm>>
      tpu.enqueue_dma source(%dma_start3A_239 : memref<1x64xf32, #tpu.memory_space<hbm>>) target(%dma_start3A_236 : memref<1x64xf32, #tpu.memory_space<vmem>>) target_semaphore(%arg13 : memref<!tpu.dma_semaphore, #tpu.memory_space<semaphore_mem>>)
      %slice3A_240 = vector.extract_strided_slice %shift_right_logical3A_60 {offsets = [10], sizes = [1], strides = [1]} : vector<16xi32> to vector<1xi32>
      %squeeze3A_241 = vector.extract %slice3A_240[0] : i32 from vector<1xi32>
      %slice3A_242 = vector.extract_strided_slice %and3A_62 {offsets = [10], sizes = [1], strides = [1]} : vector<16xi32> to vector<1xi32>
      %squeeze3A_243 = vector.extract %slice3A_242[0] : i32 from vector<1xi32>
      %mul3A_244 = arith.constant 16 : i32
      %mul3A_245 = arith.muli %scan3A_53, %mul3A_244 : i32
      %add3A_246 = arith.constant 10 : i32
      %add3A_247 = arith.addi %mul3A_245, %add3A_246 : i32
      %dma_start3A_248 = arith.constant 0 : i32
      %dma_start3A_249 = tpu.memref_slice %arg11[%add3A_247, %dma_start3A_248] : memref<256x64xf32, #tpu.memory_space<vmem>> -> memref<1x64xf32, #tpu.memory_space<vmem>>
      %dma_start3A_250 = arith.constant 0 : i32
      %dma_start3A_251 = tpu.memref_slice %arg4[%squeeze3A_241, %squeeze3A_243, %dma_start3A_250] : memref<125000x8x64xf32, #tpu.memory_space<hbm>> -> memref<1x1x64xf32, #tpu.memory_space<hbm>>
      %dma_start3A_252 = tpu.memref_squeeze %dma_start3A_251 : memref<1x1x64xf32, #tpu.memory_space<hbm>> -> memref<1x64xf32, #tpu.memory_space<hbm>>
      %dma_start3A_253 = arith.constant 0 : i32
      %dma_start3A_254 = tpu.memref_slice %arg11[%add3A_247, %dma_start3A_253] : memref<256x64xf32, #tpu.memory_space<vmem>> -> memref<1x64xf32, #tpu.memory_space<vmem>>
      %dma_start3A_255 = arith.constant 0 : i32
      %dma_start3A_256 = tpu.memref_slice %arg4[%squeeze3A_241, %squeeze3A_243, %dma_start3A_255] : memref<125000x8x64xf32, #tpu.memory_space<hbm>> -> memref<1x1x64xf32, #tpu.memory_space<hbm>>
      %dma_start3A_257 = tpu.memref_squeeze %dma_start3A_256 : memref<1x1x64xf32, #tpu.memory_space<hbm>> -> memref<1x64xf32, #tpu.memory_space<hbm>>
      tpu.enqueue_dma source(%dma_start3A_257 : memref<1x64xf32, #tpu.memory_space<hbm>>) target(%dma_start3A_254 : memref<1x64xf32, #tpu.memory_space<vmem>>) target_semaphore(%arg13 : memref<!tpu.dma_semaphore, #tpu.memory_space<semaphore_mem>>)
      %slice3A_258 = vector.extract_strided_slice %shift_right_logical3A_60 {offsets = [11], sizes = [1], strides = [1]} : vector<16xi32> to vector<1xi32>
      %squeeze3A_259 = vector.extract %slice3A_258[0] : i32 from vector<1xi32>
      %slice3A_260 = vector.extract_strided_slice %and3A_62 {offsets = [11], sizes = [1], strides = [1]} : vector<16xi32> to vector<1xi32>
      %squeeze3A_261 = vector.extract %slice3A_260[0] : i32 from vector<1xi32>
      %mul3A_262 = arith.constant 16 : i32
      %mul3A_263 = arith.muli %scan3A_53, %mul3A_262 : i32
      %add3A_264 = arith.constant 11 : i32
      %add3A_265 = arith.addi %mul3A_263, %add3A_264 : i32
      %dma_start3A_266 = arith.constant 0 : i32
      %dma_start3A_267 = tpu.memref_slice %arg11[%add3A_265, %dma_start3A_266] : memref<256x64xf32, #tpu.memory_space<vmem>> -> memref<1x64xf32, #tpu.memory_space<vmem>>
      %dma_start3A_268 = arith.constant 0 : i32
      %dma_start3A_269 = tpu.memref_slice %arg4[%squeeze3A_259, %squeeze3A_261, %dma_start3A_268] : memref<125000x8x64xf32, #tpu.memory_space<hbm>> -> memref<1x1x64xf32, #tpu.memory_space<hbm>>
      %dma_start3A_270 = tpu.memref_squeeze %dma_start3A_269 : memref<1x1x64xf32, #tpu.memory_space<hbm>> -> memref<1x64xf32, #tpu.memory_space<hbm>>
      %dma_start3A_271 = arith.constant 0 : i32
      %dma_start3A_272 = tpu.memref_slice %arg11[%add3A_265, %dma_start3A_271] : memref<256x64xf32, #tpu.memory_space<vmem>> -> memref<1x64xf32, #tpu.memory_space<vmem>>
      %dma_start3A_273 = arith.constant 0 : i32
      %dma_start3A_274 = tpu.memref_slice %arg4[%squeeze3A_259, %squeeze3A_261, %dma_start3A_273] : memref<125000x8x64xf32, #tpu.memory_space<hbm>> -> memref<1x1x64xf32, #tpu.memory_space<hbm>>
      %dma_start3A_275 = tpu.memref_squeeze %dma_start3A_274 : memref<1x1x64xf32, #tpu.memory_space<hbm>> -> memref<1x64xf32, #tpu.memory_space<hbm>>
      tpu.enqueue_dma source(%dma_start3A_275 : memref<1x64xf32, #tpu.memory_space<hbm>>) target(%dma_start3A_272 : memref<1x64xf32, #tpu.memory_space<vmem>>) target_semaphore(%arg13 : memref<!tpu.dma_semaphore, #tpu.memory_space<semaphore_mem>>)
      %slice3A_276 = vector.extract_strided_slice %shift_right_logical3A_60 {offsets = [12], sizes = [1], strides = [1]} : vector<16xi32> to vector<1xi32>
      %squeeze3A_277 = vector.extract %slice3A_276[0] : i32 from vector<1xi32>
      %slice3A_278 = vector.extract_strided_slice %and3A_62 {offsets = [12], sizes = [1], strides = [1]} : vector<16xi32> to vector<1xi32>
      %squeeze3A_279 = vector.extract %slice3A_278[0] : i32 from vector<1xi32>
      %mul3A_280 = arith.constant 16 : i32
      %mul3A_281 = arith.muli %scan3A_53, %mul3A_280 : i32
      %add3A_282 = arith.constant 12 : i32
      %add3A_283 = arith.addi %mul3A_281, %add3A_282 : i32
      %dma_start3A_284 = arith.constant 0 : i32
      %dma_start3A_285 = tpu.memref_slice %arg11[%add3A_283, %dma_start3A_284] : memref<256x64xf32, #tpu.memory_space<vmem>> -> memref<1x64xf32, #tpu.memory_space<vmem>>
      %dma_start3A_286 = arith.constant 0 : i32
      %dma_start3A_287 = tpu.memref_slice %arg4[%squeeze3A_277, %squeeze3A_279, %dma_start3A_286] : memref<125000x8x64xf32, #tpu.memory_space<hbm>> -> memref<1x1x64xf32, #tpu.memory_space<hbm>>
      %dma_start3A_288 = tpu.memref_squeeze %dma_start3A_287 : memref<1x1x64xf32, #tpu.memory_space<hbm>> -> memref<1x64xf32, #tpu.memory_space<hbm>>
      %dma_start3A_289 = arith.constant 0 : i32
      %dma_start3A_290 = tpu.memref_slice %arg11[%add3A_283, %dma_start3A_289] : memref<256x64xf32, #tpu.memory_space<vmem>> -> memref<1x64xf32, #tpu.memory_space<vmem>>
      %dma_start3A_291 = arith.constant 0 : i32
      %dma_start3A_292 = tpu.memref_slice %arg4[%squeeze3A_277, %squeeze3A_279, %dma_start3A_291] : memref<125000x8x64xf32, #tpu.memory_space<hbm>> -> memref<1x1x64xf32, #tpu.memory_space<hbm>>
      %dma_start3A_293 = tpu.memref_squeeze %dma_start3A_292 : memref<1x1x64xf32, #tpu.memory_space<hbm>> -> memref<1x64xf32, #tpu.memory_space<hbm>>
      tpu.enqueue_dma source(%dma_start3A_293 : memref<1x64xf32, #tpu.memory_space<hbm>>) target(%dma_start3A_290 : memref<1x64xf32, #tpu.memory_space<vmem>>) target_semaphore(%arg13 : memref<!tpu.dma_semaphore, #tpu.memory_space<semaphore_mem>>)
      %slice3A_294 = vector.extract_strided_slice %shift_right_logical3A_60 {offsets = [13], sizes = [1], strides = [1]} : vector<16xi32> to vector<1xi32>
      %squeeze3A_295 = vector.extract %slice3A_294[0] : i32 from vector<1xi32>
      %slice3A_296 = vector.extract_strided_slice %and3A_62 {offsets = [13], sizes = [1], strides = [1]} : vector<16xi32> to vector<1xi32>
      %squeeze3A_297 = vector.extract %slice3A_296[0] : i32 from vector<1xi32>
      %mul3A_298 = arith.constant 16 : i32
      %mul3A_299 = arith.muli %scan3A_53, %mul3A_298 : i32
      %add3A_300 = arith.constant 13 : i32
      %add3A_301 = arith.addi %mul3A_299, %add3A_300 : i32
      %dma_start3A_302 = arith.constant 0 : i32
      %dma_start3A_303 = tpu.memref_slice %arg11[%add3A_301, %dma_start3A_302] : memref<256x64xf32, #tpu.memory_space<vmem>> -> memref<1x64xf32, #tpu.memory_space<vmem>>
      %dma_start3A_304 = arith.constant 0 : i32
      %dma_start3A_305 = tpu.memref_slice %arg4[%squeeze3A_295, %squeeze3A_297, %dma_start3A_304] : memref<125000x8x64xf32, #tpu.memory_space<hbm>> -> memref<1x1x64xf32, #tpu.memory_space<hbm>>
      %dma_start3A_306 = tpu.memref_squeeze %dma_start3A_305 : memref<1x1x64xf32, #tpu.memory_space<hbm>> -> memref<1x64xf32, #tpu.memory_space<hbm>>
      %dma_start3A_307 = arith.constant 0 : i32
      %dma_start3A_308 = tpu.memref_slice %arg11[%add3A_301, %dma_start3A_307] : memref<256x64xf32, #tpu.memory_space<vmem>> -> memref<1x64xf32, #tpu.memory_space<vmem>>
      %dma_start3A_309 = arith.constant 0 : i32
      %dma_start3A_310 = tpu.memref_slice %arg4[%squeeze3A_295, %squeeze3A_297, %dma_start3A_309] : memref<125000x8x64xf32, #tpu.memory_space<hbm>> -> memref<1x1x64xf32, #tpu.memory_space<hbm>>
      %dma_start3A_311 = tpu.memref_squeeze %dma_start3A_310 : memref<1x1x64xf32, #tpu.memory_space<hbm>> -> memref<1x64xf32, #tpu.memory_space<hbm>>
      tpu.enqueue_dma source(%dma_start3A_311 : memref<1x64xf32, #tpu.memory_space<hbm>>) target(%dma_start3A_308 : memref<1x64xf32, #tpu.memory_space<vmem>>) target_semaphore(%arg13 : memref<!tpu.dma_semaphore, #tpu.memory_space<semaphore_mem>>)
      %slice3A_312 = vector.extract_strided_slice %shift_right_logical3A_60 {offsets = [14], sizes = [1], strides = [1]} : vector<16xi32> to vector<1xi32>
      %squeeze3A_313 = vector.extract %slice3A_312[0] : i32 from vector<1xi32>
      %slice3A_314 = vector.extract_strided_slice %and3A_62 {offsets = [14], sizes = [1], strides = [1]} : vector<16xi32> to vector<1xi32>
      %squeeze3A_315 = vector.extract %slice3A_314[0] : i32 from vector<1xi32>
      %mul3A_316 = arith.constant 16 : i32
      %mul3A_317 = arith.muli %scan3A_53, %mul3A_316 : i32
      %add3A_318 = arith.constant 14 : i32
      %add3A_319 = arith.addi %mul3A_317, %add3A_318 : i32
      %dma_start3A_320 = arith.constant 0 : i32
      %dma_start3A_321 = tpu.memref_slice %arg11[%add3A_319, %dma_start3A_320] : memref<256x64xf32, #tpu.memory_space<vmem>> -> memref<1x64xf32, #tpu.memory_space<vmem>>
      %dma_start3A_322 = arith.constant 0 : i32
      %dma_start3A_323 = tpu.memref_slice %arg4[%squeeze3A_313, %squeeze3A_315, %dma_start3A_322] : memref<125000x8x64xf32, #tpu.memory_space<hbm>> -> memref<1x1x64xf32, #tpu.memory_space<hbm>>
      %dma_start3A_324 = tpu.memref_squeeze %dma_start3A_323 : memref<1x1x64xf32, #tpu.memory_space<hbm>> -> memref<1x64xf32, #tpu.memory_space<hbm>>
      %dma_start3A_325 = arith.constant 0 : i32
      %dma_start3A_326 = tpu.memref_slice %arg11[%add3A_319, %dma_start3A_325] : memref<256x64xf32, #tpu.memory_space<vmem>> -> memref<1x64xf32, #tpu.memory_space<vmem>>
      %dma_start3A_327 = arith.constant 0 : i32
      %dma_start3A_328 = tpu.memref_slice %arg4[%squeeze3A_313, %squeeze3A_315, %dma_start3A_327] : memref<125000x8x64xf32, #tpu.memory_space<hbm>> -> memref<1x1x64xf32, #tpu.memory_space<hbm>>
      %dma_start3A_329 = tpu.memref_squeeze %dma_start3A_328 : memref<1x1x64xf32, #tpu.memory_space<hbm>> -> memref<1x64xf32, #tpu.memory_space<hbm>>
      tpu.enqueue_dma source(%dma_start3A_329 : memref<1x64xf32, #tpu.memory_space<hbm>>) target(%dma_start3A_326 : memref<1x64xf32, #tpu.memory_space<vmem>>) target_semaphore(%arg13 : memref<!tpu.dma_semaphore, #tpu.memory_space<semaphore_mem>>)
      %slice3A_330 = vector.extract_strided_slice %shift_right_logical3A_60 {offsets = [15], sizes = [1], strides = [1]} : vector<16xi32> to vector<1xi32>
      %squeeze3A_331 = vector.extract %slice3A_330[0] : i32 from vector<1xi32>
      %slice3A_332 = vector.extract_strided_slice %and3A_62 {offsets = [15], sizes = [1], strides = [1]} : vector<16xi32> to vector<1xi32>
      %squeeze3A_333 = vector.extract %slice3A_332[0] : i32 from vector<1xi32>
      %mul3A_334 = arith.constant 16 : i32
      %mul3A_335 = arith.muli %scan3A_53, %mul3A_334 : i32
      %add3A_336 = arith.constant 15 : i32
      %add3A_337 = arith.addi %mul3A_335, %add3A_336 : i32
      %dma_start3A_338 = arith.constant 0 : i32
      %dma_start3A_339 = tpu.memref_slice %arg11[%add3A_337, %dma_start3A_338] : memref<256x64xf32, #tpu.memory_space<vmem>> -> memref<1x64xf32, #tpu.memory_space<vmem>>
      %dma_start3A_340 = arith.constant 0 : i32
      %dma_start3A_341 = tpu.memref_slice %arg4[%squeeze3A_331, %squeeze3A_333, %dma_start3A_340] : memref<125000x8x64xf32, #tpu.memory_space<hbm>> -> memref<1x1x64xf32, #tpu.memory_space<hbm>>
      %dma_start3A_342 = tpu.memref_squeeze %dma_start3A_341 : memref<1x1x64xf32, #tpu.memory_space<hbm>> -> memref<1x64xf32, #tpu.memory_space<hbm>>
      %dma_start3A_343 = arith.constant 0 : i32
      %dma_start3A_344 = tpu.memref_slice %arg11[%add3A_337, %dma_start3A_343] : memref<256x64xf32, #tpu.memory_space<vmem>> -> memref<1x64xf32, #tpu.memory_space<vmem>>
      %dma_start3A_345 = arith.constant 0 : i32
      %dma_start3A_346 = tpu.memref_slice %arg4[%squeeze3A_331, %squeeze3A_333, %dma_start3A_345] : memref<125000x8x64xf32, #tpu.memory_space<hbm>> -> memref<1x1x64xf32, #tpu.memory_space<hbm>>
      %dma_start3A_347 = tpu.memref_squeeze %dma_start3A_346 : memref<1x1x64xf32, #tpu.memory_space<hbm>> -> memref<1x64xf32, #tpu.memory_space<hbm>>
      tpu.enqueue_dma source(%dma_start3A_347 : memref<1x64xf32, #tpu.memory_space<hbm>>) target(%dma_start3A_344 : memref<1x64xf32, #tpu.memory_space<vmem>>) target_semaphore(%arg13 : memref<!tpu.dma_semaphore, #tpu.memory_space<semaphore_mem>>)
    }
    %scan3A_11 = arith.constant 16 : i32
    %dma_wait3A = arith.constant 0 : i32
    %dma_wait3A_12 = arith.constant 0 : i32
    %dma_wait3A_13 = tpu.memref_slice %arg6[%dma_wait3A, %dma_wait3A_12] : memref<16384x64xf32, #tpu.memory_space<hbm>> -> memref<256x64xf32, #tpu.memory_space<hbm>>
    %dma_wait3A_14 = arith.constant 0 : i32
    %dma_wait3A_15 = arith.constant 0 : i32
    %dma_wait3A_16 = tpu.memref_slice %arg6[%dma_wait3A_14, %dma_wait3A_15] : memref<16384x64xf32, #tpu.memory_space<hbm>> -> memref<256x64xf32, #tpu.memory_space<hbm>>
    tpu.wait_dma2 semaphore(%arg12 : memref<!tpu.dma_semaphore, #tpu.memory_space<semaphore_mem>>) src(%dma_wait3A_16 : memref<256x64xf32, #tpu.memory_space<hbm>>) dst(%arg10 : memref<256x64xf32, #tpu.memory_space<vmem>>)
    %add3A_17 = arith.constant 0 : i32
    %add3A_18 = arith.addi %mul3A_2, %add3A_17 : i32
    "tpu.region"() ({
      %run_scoped3A = tpu.sem_alloc : memref<!tpu.dma_semaphore, #tpu.memory_space<semaphore_mem>>
      %dma_start3A = arith.constant 0 : i32
      %dma_start3A_53 = tpu.memref_slice %arg6[%add3A_18, %dma_start3A] : memref<16384x64xf32, #tpu.memory_space<hbm>> -> memref<256x64xf32, #tpu.memory_space<hbm>>
      %dma_start3A_54 = arith.constant 0 : i32
      %dma_start3A_55 = tpu.memref_slice %arg6[%add3A_18, %dma_start3A_54] : memref<16384x64xf32, #tpu.memory_space<hbm>> -> memref<256x64xf32, #tpu.memory_space<hbm>>
      tpu.enqueue_dma source(%arg10 : memref<256x64xf32, #tpu.memory_space<vmem>>) target(%dma_start3A_55 : memref<256x64xf32, #tpu.memory_space<hbm>>) target_semaphore(%run_scoped3A : memref<!tpu.dma_semaphore, #tpu.memory_space<semaphore_mem>>)
      %dma_wait3A_56 = arith.constant 0 : i32
      %dma_wait3A_57 = tpu.memref_slice %arg6[%add3A_18, %dma_wait3A_56] : memref<16384x64xf32, #tpu.memory_space<hbm>> -> memref<256x64xf32, #tpu.memory_space<hbm>>
      %dma_wait3A_58 = arith.constant 0 : i32
      %dma_wait3A_59 = tpu.memref_slice %arg6[%add3A_18, %dma_wait3A_58] : memref<16384x64xf32, #tpu.memory_space<hbm>> -> memref<256x64xf32, #tpu.memory_space<hbm>>
      tpu.wait_dma2 semaphore(%run_scoped3A : memref<!tpu.dma_semaphore, #tpu.memory_space<semaphore_mem>>) src(%arg10 : memref<256x64xf32, #tpu.memory_space<vmem>>) dst(%dma_wait3A_59 : memref<256x64xf32, #tpu.memory_space<hbm>>)
      tpu.yield
    }) : () -> ()
    %dma_wait3A_19 = arith.constant 0 : i32
    %dma_wait3A_20 = arith.constant 0 : i32
    %dma_wait3A_21 = tpu.memref_slice %arg6[%dma_wait3A_19, %dma_wait3A_20] : memref<16384x64xf32, #tpu.memory_space<hbm>> -> memref<256x64xf32, #tpu.memory_space<hbm>>
    %dma_wait3A_22 = arith.constant 0 : i32
    %dma_wait3A_23 = arith.constant 0 : i32
    %dma_wait3A_24 = tpu.memref_slice %arg6[%dma_wait3A_22, %dma_wait3A_23] : memref<16384x64xf32, #tpu.memory_space<hbm>> -> memref<256x64xf32, #tpu.memory_space<hbm>>
    tpu.wait_dma2 semaphore(%arg13 : memref<!tpu.dma_semaphore, #tpu.memory_space<semaphore_mem>>) src(%dma_wait3A_24 : memref<256x64xf32, #tpu.memory_space<hbm>>) dst(%arg11 : memref<256x64xf32, #tpu.memory_space<vmem>>)
    %add3A_25 = arith.constant 256 : i32
    %add3A_26 = arith.addi %mul3A_2, %add3A_25 : i32
    "tpu.region"() ({
      %run_scoped3A = tpu.sem_alloc : memref<!tpu.dma_semaphore, #tpu.memory_space<semaphore_mem>>
      %dma_start3A = arith.constant 0 : i32
      %dma_start3A_53 = tpu.memref_slice %arg6[%add3A_26, %dma_start3A] : memref<16384x64xf32, #tpu.memory_space<hbm>> -> memref<256x64xf32, #tpu.memory_space<hbm>>
      %dma_start3A_54 = arith.constant 0 : i32
      %dma_start3A_55 = tpu.memref_slice %arg6[%add3A_26, %dma_start3A_54] : memref<16384x64xf32, #tpu.memory_space<hbm>> -> memref<256x64xf32, #tpu.memory_space<hbm>>
      tpu.enqueue_dma source(%arg11 : memref<256x64xf32, #tpu.memory_space<vmem>>) target(%dma_start3A_55 : memref<256x64xf32, #tpu.memory_space<hbm>>) target_semaphore(%run_scoped3A : memref<!tpu.dma_semaphore, #tpu.memory_space<semaphore_mem>>)
      %dma_wait3A_56 = arith.constant 0 : i32
      %dma_wait3A_57 = tpu.memref_slice %arg6[%add3A_26, %dma_wait3A_56] : memref<16384x64xf32, #tpu.memory_space<hbm>> -> memref<256x64xf32, #tpu.memory_space<hbm>>
      %dma_wait3A_58 = arith.constant 0 : i32
      %dma_wait3A_59 = tpu.memref_slice %arg6[%add3A_26, %dma_wait3A_58] : memref<16384x64xf32, #tpu.memory_space<hbm>> -> memref<256x64xf32, #tpu.memory_space<hbm>>
      tpu.wait_dma2 semaphore(%run_scoped3A : memref<!tpu.dma_semaphore, #tpu.memory_space<semaphore_mem>>) src(%arg11 : memref<256x64xf32, #tpu.memory_space<vmem>>) dst(%dma_wait3A_59 : memref<256x64xf32, #tpu.memory_space<hbm>>)
      tpu.yield
    }) : () -> ()
    %scan3A_27 = arith.constant 0 : i32
    %scan3A_28 = arith.constant 16 : i32
    %scan3A_29 = arith.addi %scan3A_27, %scan3A_28 : i32
    %scan3A_30 = arith.constant 1 : i32
    scf.for %scan3A_53 = %scan3A_27 to %scan3A_29 step %scan3A_30  : i32 {
      %mul3A_54 = arith.constant 16 : i32
      %mul3A_55 = arith.muli %scan3A_53, %mul3A_54 : i32
      %add3A_56 = arith.constant 0 : i32
      %add3A_57 = arith.addi %add3A_56, %mul3A_55 : i32
      %get3A = arith.index_cast %add3A_57 : i32 to index
      %get3A_58 = tpu.vector_load %arg9[%get3A] {strides = array<i32>} : memref<512xi32, #tpu.memory_space<vmem>>, vector<16xi32>,
      %shift_right_logical3A = arith.constant 3 : i32
      %shift_right_logical3A_59 = vector.broadcast %shift_right_logical3A : i32 to vector<16xi32>
      %shift_right_logical3A_60 = arith.shrui %get3A_58, %shift_right_logical3A_59 : vector<16xi32>
      %and3A = arith.constant 7 : i32
      %and3A_61 = vector.broadcast %and3A : i32 to vector<16xi32>
      %and3A_62 = arith.andi %get3A_58, %and3A_61 : vector<16xi32>
      %slice3A = vector.extract_strided_slice %shift_right_logical3A_60 {offsets = [0], sizes = [1], strides = [1]} : vector<16xi32> to vector<1xi32>
      %squeeze3A = vector.extract %slice3A[0] : i32 from vector<1xi32>
      %slice3A_63 = vector.extract_strided_slice %and3A_62 {offsets = [0], sizes = [1], strides = [1]} : vector<16xi32> to vector<1xi32>
      %squeeze3A_64 = vector.extract %slice3A_63[0] : i32 from vector<1xi32>
      %mul3A_65 = arith.constant 16 : i32
      %mul3A_66 = arith.muli %scan3A_53, %mul3A_65 : i32
      %add3A_67 = arith.constant 0 : i32
      %add3A_68 = arith.addi %mul3A_66, %add3A_67 : i32
      %dma_start3A = arith.constant 0 : i32
      %dma_start3A_69 = tpu.memref_slice %arg10[%add3A_68, %dma_start3A] : memref<256x64xf32, #tpu.memory_space<vmem>> -> memref<1x64xf32, #tpu.memory_space<vmem>>
      %dma_start3A_70 = arith.constant 0 : i32
      %dma_start3A_71 = tpu.memref_slice %arg5[%squeeze3A, %squeeze3A_64, %dma_start3A_70] : memref<12500x8x64xf32, #tpu.memory_space<hbm>> -> memref<1x1x64xf32, #tpu.memory_space<hbm>>
      %dma_start3A_72 = tpu.memref_squeeze %dma_start3A_71 : memref<1x1x64xf32, #tpu.memory_space<hbm>> -> memref<1x64xf32, #tpu.memory_space<hbm>>
      %dma_start3A_73 = arith.constant 0 : i32
      %dma_start3A_74 = tpu.memref_slice %arg10[%add3A_68, %dma_start3A_73] : memref<256x64xf32, #tpu.memory_space<vmem>> -> memref<1x64xf32, #tpu.memory_space<vmem>>
      %dma_start3A_75 = arith.constant 0 : i32
      %dma_start3A_76 = tpu.memref_slice %arg5[%squeeze3A, %squeeze3A_64, %dma_start3A_75] : memref<12500x8x64xf32, #tpu.memory_space<hbm>> -> memref<1x1x64xf32, #tpu.memory_space<hbm>>
      %dma_start3A_77 = tpu.memref_squeeze %dma_start3A_76 : memref<1x1x64xf32, #tpu.memory_space<hbm>> -> memref<1x64xf32, #tpu.memory_space<hbm>>
      tpu.enqueue_dma source(%dma_start3A_77 : memref<1x64xf32, #tpu.memory_space<hbm>>) target(%dma_start3A_74 : memref<1x64xf32, #tpu.memory_space<vmem>>) target_semaphore(%arg12 : memref<!tpu.dma_semaphore, #tpu.memory_space<semaphore_mem>>)
      %slice3A_78 = vector.extract_strided_slice %shift_right_logical3A_60 {offsets = [1], sizes = [1], strides = [1]} : vector<16xi32> to vector<1xi32>
      %squeeze3A_79 = vector.extract %slice3A_78[0] : i32 from vector<1xi32>
      %slice3A_80 = vector.extract_strided_slice %and3A_62 {offsets = [1], sizes = [1], strides = [1]} : vector<16xi32> to vector<1xi32>
      %squeeze3A_81 = vector.extract %slice3A_80[0] : i32 from vector<1xi32>
      %mul3A_82 = arith.constant 16 : i32
      %mul3A_83 = arith.muli %scan3A_53, %mul3A_82 : i32
      %add3A_84 = arith.constant 1 : i32
      %add3A_85 = arith.addi %mul3A_83, %add3A_84 : i32
      %dma_start3A_86 = arith.constant 0 : i32
      %dma_start3A_87 = tpu.memref_slice %arg10[%add3A_85, %dma_start3A_86] : memref<256x64xf32, #tpu.memory_space<vmem>> -> memref<1x64xf32, #tpu.memory_space<vmem>>
      %dma_start3A_88 = arith.constant 0 : i32
      %dma_start3A_89 = tpu.memref_slice %arg5[%squeeze3A_79, %squeeze3A_81, %dma_start3A_88] : memref<12500x8x64xf32, #tpu.memory_space<hbm>> -> memref<1x1x64xf32, #tpu.memory_space<hbm>>
      %dma_start3A_90 = tpu.memref_squeeze %dma_start3A_89 : memref<1x1x64xf32, #tpu.memory_space<hbm>> -> memref<1x64xf32, #tpu.memory_space<hbm>>
      %dma_start3A_91 = arith.constant 0 : i32
      %dma_start3A_92 = tpu.memref_slice %arg10[%add3A_85, %dma_start3A_91] : memref<256x64xf32, #tpu.memory_space<vmem>> -> memref<1x64xf32, #tpu.memory_space<vmem>>
      %dma_start3A_93 = arith.constant 0 : i32
      %dma_start3A_94 = tpu.memref_slice %arg5[%squeeze3A_79, %squeeze3A_81, %dma_start3A_93] : memref<12500x8x64xf32, #tpu.memory_space<hbm>> -> memref<1x1x64xf32, #tpu.memory_space<hbm>>
      %dma_start3A_95 = tpu.memref_squeeze %dma_start3A_94 : memref<1x1x64xf32, #tpu.memory_space<hbm>> -> memref<1x64xf32, #tpu.memory_space<hbm>>
      tpu.enqueue_dma source(%dma_start3A_95 : memref<1x64xf32, #tpu.memory_space<hbm>>) target(%dma_start3A_92 : memref<1x64xf32, #tpu.memory_space<vmem>>) target_semaphore(%arg12 : memref<!tpu.dma_semaphore, #tpu.memory_space<semaphore_mem>>)
      %slice3A_96 = vector.extract_strided_slice %shift_right_logical3A_60 {offsets = [2], sizes = [1], strides = [1]} : vector<16xi32> to vector<1xi32>
      %squeeze3A_97 = vector.extract %slice3A_96[0] : i32 from vector<1xi32>
      %slice3A_98 = vector.extract_strided_slice %and3A_62 {offsets = [2], sizes = [1], strides = [1]} : vector<16xi32> to vector<1xi32>
      %squeeze3A_99 = vector.extract %slice3A_98[0] : i32 from vector<1xi32>
      %mul3A_100 = arith.constant 16 : i32
      %mul3A_101 = arith.muli %scan3A_53, %mul3A_100 : i32
      %add3A_102 = arith.constant 2 : i32
      %add3A_103 = arith.addi %mul3A_101, %add3A_102 : i32
      %dma_start3A_104 = arith.constant 0 : i32
      %dma_start3A_105 = tpu.memref_slice %arg10[%add3A_103, %dma_start3A_104] : memref<256x64xf32, #tpu.memory_space<vmem>> -> memref<1x64xf32, #tpu.memory_space<vmem>>
      %dma_start3A_106 = arith.constant 0 : i32
      %dma_start3A_107 = tpu.memref_slice %arg5[%squeeze3A_97, %squeeze3A_99, %dma_start3A_106] : memref<12500x8x64xf32, #tpu.memory_space<hbm>> -> memref<1x1x64xf32, #tpu.memory_space<hbm>>
      %dma_start3A_108 = tpu.memref_squeeze %dma_start3A_107 : memref<1x1x64xf32, #tpu.memory_space<hbm>> -> memref<1x64xf32, #tpu.memory_space<hbm>>
      %dma_start3A_109 = arith.constant 0 : i32
      %dma_start3A_110 = tpu.memref_slice %arg10[%add3A_103, %dma_start3A_109] : memref<256x64xf32, #tpu.memory_space<vmem>> -> memref<1x64xf32, #tpu.memory_space<vmem>>
      %dma_start3A_111 = arith.constant 0 : i32
      %dma_start3A_112 = tpu.memref_slice %arg5[%squeeze3A_97, %squeeze3A_99, %dma_start3A_111] : memref<12500x8x64xf32, #tpu.memory_space<hbm>> -> memref<1x1x64xf32, #tpu.memory_space<hbm>>
      %dma_start3A_113 = tpu.memref_squeeze %dma_start3A_112 : memref<1x1x64xf32, #tpu.memory_space<hbm>> -> memref<1x64xf32, #tpu.memory_space<hbm>>
      tpu.enqueue_dma source(%dma_start3A_113 : memref<1x64xf32, #tpu.memory_space<hbm>>) target(%dma_start3A_110 : memref<1x64xf32, #tpu.memory_space<vmem>>) target_semaphore(%arg12 : memref<!tpu.dma_semaphore, #tpu.memory_space<semaphore_mem>>)
      %slice3A_114 = vector.extract_strided_slice %shift_right_logical3A_60 {offsets = [3], sizes = [1], strides = [1]} : vector<16xi32> to vector<1xi32>
      %squeeze3A_115 = vector.extract %slice3A_114[0] : i32 from vector<1xi32>
      %slice3A_116 = vector.extract_strided_slice %and3A_62 {offsets = [3], sizes = [1], strides = [1]} : vector<16xi32> to vector<1xi32>
      %squeeze3A_117 = vector.extract %slice3A_116[0] : i32 from vector<1xi32>
      %mul3A_118 = arith.constant 16 : i32
      %mul3A_119 = arith.muli %scan3A_53, %mul3A_118 : i32
      %add3A_120 = arith.constant 3 : i32
      %add3A_121 = arith.addi %mul3A_119, %add3A_120 : i32
      %dma_start3A_122 = arith.constant 0 : i32
      %dma_start3A_123 = tpu.memref_slice %arg10[%add3A_121, %dma_start3A_122] : memref<256x64xf32, #tpu.memory_space<vmem>> -> memref<1x64xf32, #tpu.memory_space<vmem>>
      %dma_start3A_124 = arith.constant 0 : i32
      %dma_start3A_125 = tpu.memref_slice %arg5[%squeeze3A_115, %squeeze3A_117, %dma_start3A_124] : memref<12500x8x64xf32, #tpu.memory_space<hbm>> -> memref<1x1x64xf32, #tpu.memory_space<hbm>>
      %dma_start3A_126 = tpu.memref_squeeze %dma_start3A_125 : memref<1x1x64xf32, #tpu.memory_space<hbm>> -> memref<1x64xf32, #tpu.memory_space<hbm>>
      %dma_start3A_127 = arith.constant 0 : i32
      %dma_start3A_128 = tpu.memref_slice %arg10[%add3A_121, %dma_start3A_127] : memref<256x64xf32, #tpu.memory_space<vmem>> -> memref<1x64xf32, #tpu.memory_space<vmem>>
      %dma_start3A_129 = arith.constant 0 : i32
      %dma_start3A_130 = tpu.memref_slice %arg5[%squeeze3A_115, %squeeze3A_117, %dma_start3A_129] : memref<12500x8x64xf32, #tpu.memory_space<hbm>> -> memref<1x1x64xf32, #tpu.memory_space<hbm>>
      %dma_start3A_131 = tpu.memref_squeeze %dma_start3A_130 : memref<1x1x64xf32, #tpu.memory_space<hbm>> -> memref<1x64xf32, #tpu.memory_space<hbm>>
      tpu.enqueue_dma source(%dma_start3A_131 : memref<1x64xf32, #tpu.memory_space<hbm>>) target(%dma_start3A_128 : memref<1x64xf32, #tpu.memory_space<vmem>>) target_semaphore(%arg12 : memref<!tpu.dma_semaphore, #tpu.memory_space<semaphore_mem>>)
      %slice3A_132 = vector.extract_strided_slice %shift_right_logical3A_60 {offsets = [4], sizes = [1], strides = [1]} : vector<16xi32> to vector<1xi32>
      %squeeze3A_133 = vector.extract %slice3A_132[0] : i32 from vector<1xi32>
      %slice3A_134 = vector.extract_strided_slice %and3A_62 {offsets = [4], sizes = [1], strides = [1]} : vector<16xi32> to vector<1xi32>
      %squeeze3A_135 = vector.extract %slice3A_134[0] : i32 from vector<1xi32>
      %mul3A_136 = arith.constant 16 : i32
      %mul3A_137 = arith.muli %scan3A_53, %mul3A_136 : i32
      %add3A_138 = arith.constant 4 : i32
      %add3A_139 = arith.addi %mul3A_137, %add3A_138 : i32
      %dma_start3A_140 = arith.constant 0 : i32
      %dma_start3A_141 = tpu.memref_slice %arg10[%add3A_139, %dma_start3A_140] : memref<256x64xf32, #tpu.memory_space<vmem>> -> memref<1x64xf32, #tpu.memory_space<vmem>>
      %dma_start3A_142 = arith.constant 0 : i32
      %dma_start3A_143 = tpu.memref_slice %arg5[%squeeze3A_133, %squeeze3A_135, %dma_start3A_142] : memref<12500x8x64xf32, #tpu.memory_space<hbm>> -> memref<1x1x64xf32, #tpu.memory_space<hbm>>
      %dma_start3A_144 = tpu.memref_squeeze %dma_start3A_143 : memref<1x1x64xf32, #tpu.memory_space<hbm>> -> memref<1x64xf32, #tpu.memory_space<hbm>>
      %dma_start3A_145 = arith.constant 0 : i32
      %dma_start3A_146 = tpu.memref_slice %arg10[%add3A_139, %dma_start3A_145] : memref<256x64xf32, #tpu.memory_space<vmem>> -> memref<1x64xf32, #tpu.memory_space<vmem>>
      %dma_start3A_147 = arith.constant 0 : i32
      %dma_start3A_148 = tpu.memref_slice %arg5[%squeeze3A_133, %squeeze3A_135, %dma_start3A_147] : memref<12500x8x64xf32, #tpu.memory_space<hbm>> -> memref<1x1x64xf32, #tpu.memory_space<hbm>>
      %dma_start3A_149 = tpu.memref_squeeze %dma_start3A_148 : memref<1x1x64xf32, #tpu.memory_space<hbm>> -> memref<1x64xf32, #tpu.memory_space<hbm>>
      tpu.enqueue_dma source(%dma_start3A_149 : memref<1x64xf32, #tpu.memory_space<hbm>>) target(%dma_start3A_146 : memref<1x64xf32, #tpu.memory_space<vmem>>) target_semaphore(%arg12 : memref<!tpu.dma_semaphore, #tpu.memory_space<semaphore_mem>>)
      %slice3A_150 = vector.extract_strided_slice %shift_right_logical3A_60 {offsets = [5], sizes = [1], strides = [1]} : vector<16xi32> to vector<1xi32>
      %squeeze3A_151 = vector.extract %slice3A_150[0] : i32 from vector<1xi32>
      %slice3A_152 = vector.extract_strided_slice %and3A_62 {offsets = [5], sizes = [1], strides = [1]} : vector<16xi32> to vector<1xi32>
      %squeeze3A_153 = vector.extract %slice3A_152[0] : i32 from vector<1xi32>
      %mul3A_154 = arith.constant 16 : i32
      %mul3A_155 = arith.muli %scan3A_53, %mul3A_154 : i32
      %add3A_156 = arith.constant 5 : i32
      %add3A_157 = arith.addi %mul3A_155, %add3A_156 : i32
      %dma_start3A_158 = arith.constant 0 : i32
      %dma_start3A_159 = tpu.memref_slice %arg10[%add3A_157, %dma_start3A_158] : memref<256x64xf32, #tpu.memory_space<vmem>> -> memref<1x64xf32, #tpu.memory_space<vmem>>
      %dma_start3A_160 = arith.constant 0 : i32
      %dma_start3A_161 = tpu.memref_slice %arg5[%squeeze3A_151, %squeeze3A_153, %dma_start3A_160] : memref<12500x8x64xf32, #tpu.memory_space<hbm>> -> memref<1x1x64xf32, #tpu.memory_space<hbm>>
      %dma_start3A_162 = tpu.memref_squeeze %dma_start3A_161 : memref<1x1x64xf32, #tpu.memory_space<hbm>> -> memref<1x64xf32, #tpu.memory_space<hbm>>
      %dma_start3A_163 = arith.constant 0 : i32
      %dma_start3A_164 = tpu.memref_slice %arg10[%add3A_157, %dma_start3A_163] : memref<256x64xf32, #tpu.memory_space<vmem>> -> memref<1x64xf32, #tpu.memory_space<vmem>>
      %dma_start3A_165 = arith.constant 0 : i32
      %dma_start3A_166 = tpu.memref_slice %arg5[%squeeze3A_151, %squeeze3A_153, %dma_start3A_165] : memref<12500x8x64xf32, #tpu.memory_space<hbm>> -> memref<1x1x64xf32, #tpu.memory_space<hbm>>
      %dma_start3A_167 = tpu.memref_squeeze %dma_start3A_166 : memref<1x1x64xf32, #tpu.memory_space<hbm>> -> memref<1x64xf32, #tpu.memory_space<hbm>>
      tpu.enqueue_dma source(%dma_start3A_167 : memref<1x64xf32, #tpu.memory_space<hbm>>) target(%dma_start3A_164 : memref<1x64xf32, #tpu.memory_space<vmem>>) target_semaphore(%arg12 : memref<!tpu.dma_semaphore, #tpu.memory_space<semaphore_mem>>)
      %slice3A_168 = vector.extract_strided_slice %shift_right_logical3A_60 {offsets = [6], sizes = [1], strides = [1]} : vector<16xi32> to vector<1xi32>
      %squeeze3A_169 = vector.extract %slice3A_168[0] : i32 from vector<1xi32>
      %slice3A_170 = vector.extract_strided_slice %and3A_62 {offsets = [6], sizes = [1], strides = [1]} : vector<16xi32> to vector<1xi32>
      %squeeze3A_171 = vector.extract %slice3A_170[0] : i32 from vector<1xi32>
      %mul3A_172 = arith.constant 16 : i32
      %mul3A_173 = arith.muli %scan3A_53, %mul3A_172 : i32
      %add3A_174 = arith.constant 6 : i32
      %add3A_175 = arith.addi %mul3A_173, %add3A_174 : i32
      %dma_start3A_176 = arith.constant 0 : i32
      %dma_start3A_177 = tpu.memref_slice %arg10[%add3A_175, %dma_start3A_176] : memref<256x64xf32, #tpu.memory_space<vmem>> -> memref<1x64xf32, #tpu.memory_space<vmem>>
      %dma_start3A_178 = arith.constant 0 : i32
      %dma_start3A_179 = tpu.memref_slice %arg5[%squeeze3A_169, %squeeze3A_171, %dma_start3A_178] : memref<12500x8x64xf32, #tpu.memory_space<hbm>> -> memref<1x1x64xf32, #tpu.memory_space<hbm>>
      %dma_start3A_180 = tpu.memref_squeeze %dma_start3A_179 : memref<1x1x64xf32, #tpu.memory_space<hbm>> -> memref<1x64xf32, #tpu.memory_space<hbm>>
      %dma_start3A_181 = arith.constant 0 : i32
      %dma_start3A_182 = tpu.memref_slice %arg10[%add3A_175, %dma_start3A_181] : memref<256x64xf32, #tpu.memory_space<vmem>> -> memref<1x64xf32, #tpu.memory_space<vmem>>
      %dma_start3A_183 = arith.constant 0 : i32
      %dma_start3A_184 = tpu.memref_slice %arg5[%squeeze3A_169, %squeeze3A_171, %dma_start3A_183] : memref<12500x8x64xf32, #tpu.memory_space<hbm>> -> memref<1x1x64xf32, #tpu.memory_space<hbm>>
      %dma_start3A_185 = tpu.memref_squeeze %dma_start3A_184 : memref<1x1x64xf32, #tpu.memory_space<hbm>> -> memref<1x64xf32, #tpu.memory_space<hbm>>
      tpu.enqueue_dma source(%dma_start3A_185 : memref<1x64xf32, #tpu.memory_space<hbm>>) target(%dma_start3A_182 : memref<1x64xf32, #tpu.memory_space<vmem>>) target_semaphore(%arg12 : memref<!tpu.dma_semaphore, #tpu.memory_space<semaphore_mem>>)
      %slice3A_186 = vector.extract_strided_slice %shift_right_logical3A_60 {offsets = [7], sizes = [1], strides = [1]} : vector<16xi32> to vector<1xi32>
      %squeeze3A_187 = vector.extract %slice3A_186[0] : i32 from vector<1xi32>
      %slice3A_188 = vector.extract_strided_slice %and3A_62 {offsets = [7], sizes = [1], strides = [1]} : vector<16xi32> to vector<1xi32>
      %squeeze3A_189 = vector.extract %slice3A_188[0] : i32 from vector<1xi32>
      %mul3A_190 = arith.constant 16 : i32
      %mul3A_191 = arith.muli %scan3A_53, %mul3A_190 : i32
      %add3A_192 = arith.constant 7 : i32
      %add3A_193 = arith.addi %mul3A_191, %add3A_192 : i32
      %dma_start3A_194 = arith.constant 0 : i32
      %dma_start3A_195 = tpu.memref_slice %arg10[%add3A_193, %dma_start3A_194] : memref<256x64xf32, #tpu.memory_space<vmem>> -> memref<1x64xf32, #tpu.memory_space<vmem>>
      %dma_start3A_196 = arith.constant 0 : i32
      %dma_start3A_197 = tpu.memref_slice %arg5[%squeeze3A_187, %squeeze3A_189, %dma_start3A_196] : memref<12500x8x64xf32, #tpu.memory_space<hbm>> -> memref<1x1x64xf32, #tpu.memory_space<hbm>>
      %dma_start3A_198 = tpu.memref_squeeze %dma_start3A_197 : memref<1x1x64xf32, #tpu.memory_space<hbm>> -> memref<1x64xf32, #tpu.memory_space<hbm>>
      %dma_start3A_199 = arith.constant 0 : i32
      %dma_start3A_200 = tpu.memref_slice %arg10[%add3A_193, %dma_start3A_199] : memref<256x64xf32, #tpu.memory_space<vmem>> -> memref<1x64xf32, #tpu.memory_space<vmem>>
      %dma_start3A_201 = arith.constant 0 : i32
      %dma_start3A_202 = tpu.memref_slice %arg5[%squeeze3A_187, %squeeze3A_189, %dma_start3A_201] : memref<12500x8x64xf32, #tpu.memory_space<hbm>> -> memref<1x1x64xf32, #tpu.memory_space<hbm>>
      %dma_start3A_203 = tpu.memref_squeeze %dma_start3A_202 : memref<1x1x64xf32, #tpu.memory_space<hbm>> -> memref<1x64xf32, #tpu.memory_space<hbm>>
      tpu.enqueue_dma source(%dma_start3A_203 : memref<1x64xf32, #tpu.memory_space<hbm>>) target(%dma_start3A_200 : memref<1x64xf32, #tpu.memory_space<vmem>>) target_semaphore(%arg12 : memref<!tpu.dma_semaphore, #tpu.memory_space<semaphore_mem>>)
      %slice3A_204 = vector.extract_strided_slice %shift_right_logical3A_60 {offsets = [8], sizes = [1], strides = [1]} : vector<16xi32> to vector<1xi32>
      %squeeze3A_205 = vector.extract %slice3A_204[0] : i32 from vector<1xi32>
      %slice3A_206 = vector.extract_strided_slice %and3A_62 {offsets = [8], sizes = [1], strides = [1]} : vector<16xi32> to vector<1xi32>
      %squeeze3A_207 = vector.extract %slice3A_206[0] : i32 from vector<1xi32>
      %mul3A_208 = arith.constant 16 : i32
      %mul3A_209 = arith.muli %scan3A_53, %mul3A_208 : i32
      %add3A_210 = arith.constant 8 : i32
      %add3A_211 = arith.addi %mul3A_209, %add3A_210 : i32
      %dma_start3A_212 = arith.constant 0 : i32
      %dma_start3A_213 = tpu.memref_slice %arg10[%add3A_211, %dma_start3A_212] : memref<256x64xf32, #tpu.memory_space<vmem>> -> memref<1x64xf32, #tpu.memory_space<vmem>>
      %dma_start3A_214 = arith.constant 0 : i32
      %dma_start3A_215 = tpu.memref_slice %arg5[%squeeze3A_205, %squeeze3A_207, %dma_start3A_214] : memref<12500x8x64xf32, #tpu.memory_space<hbm>> -> memref<1x1x64xf32, #tpu.memory_space<hbm>>
      %dma_start3A_216 = tpu.memref_squeeze %dma_start3A_215 : memref<1x1x64xf32, #tpu.memory_space<hbm>> -> memref<1x64xf32, #tpu.memory_space<hbm>>
      %dma_start3A_217 = arith.constant 0 : i32
      %dma_start3A_218 = tpu.memref_slice %arg10[%add3A_211, %dma_start3A_217] : memref<256x64xf32, #tpu.memory_space<vmem>> -> memref<1x64xf32, #tpu.memory_space<vmem>>
      %dma_start3A_219 = arith.constant 0 : i32
      %dma_start3A_220 = tpu.memref_slice %arg5[%squeeze3A_205, %squeeze3A_207, %dma_start3A_219] : memref<12500x8x64xf32, #tpu.memory_space<hbm>> -> memref<1x1x64xf32, #tpu.memory_space<hbm>>
      %dma_start3A_221 = tpu.memref_squeeze %dma_start3A_220 : memref<1x1x64xf32, #tpu.memory_space<hbm>> -> memref<1x64xf32, #tpu.memory_space<hbm>>
      tpu.enqueue_dma source(%dma_start3A_221 : memref<1x64xf32, #tpu.memory_space<hbm>>) target(%dma_start3A_218 : memref<1x64xf32, #tpu.memory_space<vmem>>) target_semaphore(%arg12 : memref<!tpu.dma_semaphore, #tpu.memory_space<semaphore_mem>>)
      %slice3A_222 = vector.extract_strided_slice %shift_right_logical3A_60 {offsets = [9], sizes = [1], strides = [1]} : vector<16xi32> to vector<1xi32>
      %squeeze3A_223 = vector.extract %slice3A_222[0] : i32 from vector<1xi32>
      %slice3A_224 = vector.extract_strided_slice %and3A_62 {offsets = [9], sizes = [1], strides = [1]} : vector<16xi32> to vector<1xi32>
      %squeeze3A_225 = vector.extract %slice3A_224[0] : i32 from vector<1xi32>
      %mul3A_226 = arith.constant 16 : i32
      %mul3A_227 = arith.muli %scan3A_53, %mul3A_226 : i32
      %add3A_228 = arith.constant 9 : i32
      %add3A_229 = arith.addi %mul3A_227, %add3A_228 : i32
      %dma_start3A_230 = arith.constant 0 : i32
      %dma_start3A_231 = tpu.memref_slice %arg10[%add3A_229, %dma_start3A_230] : memref<256x64xf32, #tpu.memory_space<vmem>> -> memref<1x64xf32, #tpu.memory_space<vmem>>
      %dma_start3A_232 = arith.constant 0 : i32
      %dma_start3A_233 = tpu.memref_slice %arg5[%squeeze3A_223, %squeeze3A_225, %dma_start3A_232] : memref<12500x8x64xf32, #tpu.memory_space<hbm>> -> memref<1x1x64xf32, #tpu.memory_space<hbm>>
      %dma_start3A_234 = tpu.memref_squeeze %dma_start3A_233 : memref<1x1x64xf32, #tpu.memory_space<hbm>> -> memref<1x64xf32, #tpu.memory_space<hbm>>
      %dma_start3A_235 = arith.constant 0 : i32
      %dma_start3A_236 = tpu.memref_slice %arg10[%add3A_229, %dma_start3A_235] : memref<256x64xf32, #tpu.memory_space<vmem>> -> memref<1x64xf32, #tpu.memory_space<vmem>>
      %dma_start3A_237 = arith.constant 0 : i32
      %dma_start3A_238 = tpu.memref_slice %arg5[%squeeze3A_223, %squeeze3A_225, %dma_start3A_237] : memref<12500x8x64xf32, #tpu.memory_space<hbm>> -> memref<1x1x64xf32, #tpu.memory_space<hbm>>
      %dma_start3A_239 = tpu.memref_squeeze %dma_start3A_238 : memref<1x1x64xf32, #tpu.memory_space<hbm>> -> memref<1x64xf32, #tpu.memory_space<hbm>>
      tpu.enqueue_dma source(%dma_start3A_239 : memref<1x64xf32, #tpu.memory_space<hbm>>) target(%dma_start3A_236 : memref<1x64xf32, #tpu.memory_space<vmem>>) target_semaphore(%arg12 : memref<!tpu.dma_semaphore, #tpu.memory_space<semaphore_mem>>)
      %slice3A_240 = vector.extract_strided_slice %shift_right_logical3A_60 {offsets = [10], sizes = [1], strides = [1]} : vector<16xi32> to vector<1xi32>
      %squeeze3A_241 = vector.extract %slice3A_240[0] : i32 from vector<1xi32>
      %slice3A_242 = vector.extract_strided_slice %and3A_62 {offsets = [10], sizes = [1], strides = [1]} : vector<16xi32> to vector<1xi32>
      %squeeze3A_243 = vector.extract %slice3A_242[0] : i32 from vector<1xi32>
      %mul3A_244 = arith.constant 16 : i32
      %mul3A_245 = arith.muli %scan3A_53, %mul3A_244 : i32
      %add3A_246 = arith.constant 10 : i32
      %add3A_247 = arith.addi %mul3A_245, %add3A_246 : i32
      %dma_start3A_248 = arith.constant 0 : i32
      %dma_start3A_249 = tpu.memref_slice %arg10[%add3A_247, %dma_start3A_248] : memref<256x64xf32, #tpu.memory_space<vmem>> -> memref<1x64xf32, #tpu.memory_space<vmem>>
      %dma_start3A_250 = arith.constant 0 : i32
      %dma_start3A_251 = tpu.memref_slice %arg5[%squeeze3A_241, %squeeze3A_243, %dma_start3A_250] : memref<12500x8x64xf32, #tpu.memory_space<hbm>> -> memref<1x1x64xf32, #tpu.memory_space<hbm>>
      %dma_start3A_252 = tpu.memref_squeeze %dma_start3A_251 : memref<1x1x64xf32, #tpu.memory_space<hbm>> -> memref<1x64xf32, #tpu.memory_space<hbm>>
      %dma_start3A_253 = arith.constant 0 : i32
      %dma_start3A_254 = tpu.memref_slice %arg10[%add3A_247, %dma_start3A_253] : memref<256x64xf32, #tpu.memory_space<vmem>> -> memref<1x64xf32, #tpu.memory_space<vmem>>
      %dma_start3A_255 = arith.constant 0 : i32
      %dma_start3A_256 = tpu.memref_slice %arg5[%squeeze3A_241, %squeeze3A_243, %dma_start3A_255] : memref<12500x8x64xf32, #tpu.memory_space<hbm>> -> memref<1x1x64xf32, #tpu.memory_space<hbm>>
      %dma_start3A_257 = tpu.memref_squeeze %dma_start3A_256 : memref<1x1x64xf32, #tpu.memory_space<hbm>> -> memref<1x64xf32, #tpu.memory_space<hbm>>
      tpu.enqueue_dma source(%dma_start3A_257 : memref<1x64xf32, #tpu.memory_space<hbm>>) target(%dma_start3A_254 : memref<1x64xf32, #tpu.memory_space<vmem>>) target_semaphore(%arg12 : memref<!tpu.dma_semaphore, #tpu.memory_space<semaphore_mem>>)
      %slice3A_258 = vector.extract_strided_slice %shift_right_logical3A_60 {offsets = [11], sizes = [1], strides = [1]} : vector<16xi32> to vector<1xi32>
      %squeeze3A_259 = vector.extract %slice3A_258[0] : i32 from vector<1xi32>
      %slice3A_260 = vector.extract_strided_slice %and3A_62 {offsets = [11], sizes = [1], strides = [1]} : vector<16xi32> to vector<1xi32>
      %squeeze3A_261 = vector.extract %slice3A_260[0] : i32 from vector<1xi32>
      %mul3A_262 = arith.constant 16 : i32
      %mul3A_263 = arith.muli %scan3A_53, %mul3A_262 : i32
      %add3A_264 = arith.constant 11 : i32
      %add3A_265 = arith.addi %mul3A_263, %add3A_264 : i32
      %dma_start3A_266 = arith.constant 0 : i32
      %dma_start3A_267 = tpu.memref_slice %arg10[%add3A_265, %dma_start3A_266] : memref<256x64xf32, #tpu.memory_space<vmem>> -> memref<1x64xf32, #tpu.memory_space<vmem>>
      %dma_start3A_268 = arith.constant 0 : i32
      %dma_start3A_269 = tpu.memref_slice %arg5[%squeeze3A_259, %squeeze3A_261, %dma_start3A_268] : memref<12500x8x64xf32, #tpu.memory_space<hbm>> -> memref<1x1x64xf32, #tpu.memory_space<hbm>>
      %dma_start3A_270 = tpu.memref_squeeze %dma_start3A_269 : memref<1x1x64xf32, #tpu.memory_space<hbm>> -> memref<1x64xf32, #tpu.memory_space<hbm>>
      %dma_start3A_271 = arith.constant 0 : i32
      %dma_start3A_272 = tpu.memref_slice %arg10[%add3A_265, %dma_start3A_271] : memref<256x64xf32, #tpu.memory_space<vmem>> -> memref<1x64xf32, #tpu.memory_space<vmem>>
      %dma_start3A_273 = arith.constant 0 : i32
      %dma_start3A_274 = tpu.memref_slice %arg5[%squeeze3A_259, %squeeze3A_261, %dma_start3A_273] : memref<12500x8x64xf32, #tpu.memory_space<hbm>> -> memref<1x1x64xf32, #tpu.memory_space<hbm>>
      %dma_start3A_275 = tpu.memref_squeeze %dma_start3A_274 : memref<1x1x64xf32, #tpu.memory_space<hbm>> -> memref<1x64xf32, #tpu.memory_space<hbm>>
      tpu.enqueue_dma source(%dma_start3A_275 : memref<1x64xf32, #tpu.memory_space<hbm>>) target(%dma_start3A_272 : memref<1x64xf32, #tpu.memory_space<vmem>>) target_semaphore(%arg12 : memref<!tpu.dma_semaphore, #tpu.memory_space<semaphore_mem>>)
      %slice3A_276 = vector.extract_strided_slice %shift_right_logical3A_60 {offsets = [12], sizes = [1], strides = [1]} : vector<16xi32> to vector<1xi32>
      %squeeze3A_277 = vector.extract %slice3A_276[0] : i32 from vector<1xi32>
      %slice3A_278 = vector.extract_strided_slice %and3A_62 {offsets = [12], sizes = [1], strides = [1]} : vector<16xi32> to vector<1xi32>
      %squeeze3A_279 = vector.extract %slice3A_278[0] : i32 from vector<1xi32>
      %mul3A_280 = arith.constant 16 : i32
      %mul3A_281 = arith.muli %scan3A_53, %mul3A_280 : i32
      %add3A_282 = arith.constant 12 : i32
      %add3A_283 = arith.addi %mul3A_281, %add3A_282 : i32
      %dma_start3A_284 = arith.constant 0 : i32
      %dma_start3A_285 = tpu.memref_slice %arg10[%add3A_283, %dma_start3A_284] : memref<256x64xf32, #tpu.memory_space<vmem>> -> memref<1x64xf32, #tpu.memory_space<vmem>>
      %dma_start3A_286 = arith.constant 0 : i32
      %dma_start3A_287 = tpu.memref_slice %arg5[%squeeze3A_277, %squeeze3A_279, %dma_start3A_286] : memref<12500x8x64xf32, #tpu.memory_space<hbm>> -> memref<1x1x64xf32, #tpu.memory_space<hbm>>
      %dma_start3A_288 = tpu.memref_squeeze %dma_start3A_287 : memref<1x1x64xf32, #tpu.memory_space<hbm>> -> memref<1x64xf32, #tpu.memory_space<hbm>>
      %dma_start3A_289 = arith.constant 0 : i32
      %dma_start3A_290 = tpu.memref_slice %arg10[%add3A_283, %dma_start3A_289] : memref<256x64xf32, #tpu.memory_space<vmem>> -> memref<1x64xf32, #tpu.memory_space<vmem>>
      %dma_start3A_291 = arith.constant 0 : i32
      %dma_start3A_292 = tpu.memref_slice %arg5[%squeeze3A_277, %squeeze3A_279, %dma_start3A_291] : memref<12500x8x64xf32, #tpu.memory_space<hbm>> -> memref<1x1x64xf32, #tpu.memory_space<hbm>>
      %dma_start3A_293 = tpu.memref_squeeze %dma_start3A_292 : memref<1x1x64xf32, #tpu.memory_space<hbm>> -> memref<1x64xf32, #tpu.memory_space<hbm>>
      tpu.enqueue_dma source(%dma_start3A_293 : memref<1x64xf32, #tpu.memory_space<hbm>>) target(%dma_start3A_290 : memref<1x64xf32, #tpu.memory_space<vmem>>) target_semaphore(%arg12 : memref<!tpu.dma_semaphore, #tpu.memory_space<semaphore_mem>>)
      %slice3A_294 = vector.extract_strided_slice %shift_right_logical3A_60 {offsets = [13], sizes = [1], strides = [1]} : vector<16xi32> to vector<1xi32>
      %squeeze3A_295 = vector.extract %slice3A_294[0] : i32 from vector<1xi32>
      %slice3A_296 = vector.extract_strided_slice %and3A_62 {offsets = [13], sizes = [1], strides = [1]} : vector<16xi32> to vector<1xi32>
      %squeeze3A_297 = vector.extract %slice3A_296[0] : i32 from vector<1xi32>
      %mul3A_298 = arith.constant 16 : i32
      %mul3A_299 = arith.muli %scan3A_53, %mul3A_298 : i32
      %add3A_300 = arith.constant 13 : i32
      %add3A_301 = arith.addi %mul3A_299, %add3A_300 : i32
      %dma_start3A_302 = arith.constant 0 : i32
      %dma_start3A_303 = tpu.memref_slice %arg10[%add3A_301, %dma_start3A_302] : memref<256x64xf32, #tpu.memory_space<vmem>> -> memref<1x64xf32, #tpu.memory_space<vmem>>
      %dma_start3A_304 = arith.constant 0 : i32
      %dma_start3A_305 = tpu.memref_slice %arg5[%squeeze3A_295, %squeeze3A_297, %dma_start3A_304] : memref<12500x8x64xf32, #tpu.memory_space<hbm>> -> memref<1x1x64xf32, #tpu.memory_space<hbm>>
      %dma_start3A_306 = tpu.memref_squeeze %dma_start3A_305 : memref<1x1x64xf32, #tpu.memory_space<hbm>> -> memref<1x64xf32, #tpu.memory_space<hbm>>
      %dma_start3A_307 = arith.constant 0 : i32
      %dma_start3A_308 = tpu.memref_slice %arg10[%add3A_301, %dma_start3A_307] : memref<256x64xf32, #tpu.memory_space<vmem>> -> memref<1x64xf32, #tpu.memory_space<vmem>>
      %dma_start3A_309 = arith.constant 0 : i32
      %dma_start3A_310 = tpu.memref_slice %arg5[%squeeze3A_295, %squeeze3A_297, %dma_start3A_309] : memref<12500x8x64xf32, #tpu.memory_space<hbm>> -> memref<1x1x64xf32, #tpu.memory_space<hbm>>
      %dma_start3A_311 = tpu.memref_squeeze %dma_start3A_310 : memref<1x1x64xf32, #tpu.memory_space<hbm>> -> memref<1x64xf32, #tpu.memory_space<hbm>>
      tpu.enqueue_dma source(%dma_start3A_311 : memref<1x64xf32, #tpu.memory_space<hbm>>) target(%dma_start3A_308 : memref<1x64xf32, #tpu.memory_space<vmem>>) target_semaphore(%arg12 : memref<!tpu.dma_semaphore, #tpu.memory_space<semaphore_mem>>)
      %slice3A_312 = vector.extract_strided_slice %shift_right_logical3A_60 {offsets = [14], sizes = [1], strides = [1]} : vector<16xi32> to vector<1xi32>
      %squeeze3A_313 = vector.extract %slice3A_312[0] : i32 from vector<1xi32>
      %slice3A_314 = vector.extract_strided_slice %and3A_62 {offsets = [14], sizes = [1], strides = [1]} : vector<16xi32> to vector<1xi32>
      %squeeze3A_315 = vector.extract %slice3A_314[0] : i32 from vector<1xi32>
      %mul3A_316 = arith.constant 16 : i32
      %mul3A_317 = arith.muli %scan3A_53, %mul3A_316 : i32
      %add3A_318 = arith.constant 14 : i32
      %add3A_319 = arith.addi %mul3A_317, %add3A_318 : i32
      %dma_start3A_320 = arith.constant 0 : i32
      %dma_start3A_321 = tpu.memref_slice %arg10[%add3A_319, %dma_start3A_320] : memref<256x64xf32, #tpu.memory_space<vmem>> -> memref<1x64xf32, #tpu.memory_space<vmem>>
      %dma_start3A_322 = arith.constant 0 : i32
      %dma_start3A_323 = tpu.memref_slice %arg5[%squeeze3A_313, %squeeze3A_315, %dma_start3A_322] : memref<12500x8x64xf32, #tpu.memory_space<hbm>> -> memref<1x1x64xf32, #tpu.memory_space<hbm>>
      %dma_start3A_324 = tpu.memref_squeeze %dma_start3A_323 : memref<1x1x64xf32, #tpu.memory_space<hbm>> -> memref<1x64xf32, #tpu.memory_space<hbm>>
      %dma_start3A_325 = arith.constant 0 : i32
      %dma_start3A_326 = tpu.memref_slice %arg10[%add3A_319, %dma_start3A_325] : memref<256x64xf32, #tpu.memory_space<vmem>> -> memref<1x64xf32, #tpu.memory_space<vmem>>
      %dma_start3A_327 = arith.constant 0 : i32
      %dma_start3A_328 = tpu.memref_slice %arg5[%squeeze3A_313, %squeeze3A_315, %dma_start3A_327] : memref<12500x8x64xf32, #tpu.memory_space<hbm>> -> memref<1x1x64xf32, #tpu.memory_space<hbm>>
      %dma_start3A_329 = tpu.memref_squeeze %dma_start3A_328 : memref<1x1x64xf32, #tpu.memory_space<hbm>> -> memref<1x64xf32, #tpu.memory_space<hbm>>
      tpu.enqueue_dma source(%dma_start3A_329 : memref<1x64xf32, #tpu.memory_space<hbm>>) target(%dma_start3A_326 : memref<1x64xf32, #tpu.memory_space<vmem>>) target_semaphore(%arg12 : memref<!tpu.dma_semaphore, #tpu.memory_space<semaphore_mem>>)
      %slice3A_330 = vector.extract_strided_slice %shift_right_logical3A_60 {offsets = [15], sizes = [1], strides = [1]} : vector<16xi32> to vector<1xi32>
      %squeeze3A_331 = vector.extract %slice3A_330[0] : i32 from vector<1xi32>
      %slice3A_332 = vector.extract_strided_slice %and3A_62 {offsets = [15], sizes = [1], strides = [1]} : vector<16xi32> to vector<1xi32>
      %squeeze3A_333 = vector.extract %slice3A_332[0] : i32 from vector<1xi32>
      %mul3A_334 = arith.constant 16 : i32
      %mul3A_335 = arith.muli %scan3A_53, %mul3A_334 : i32
      %add3A_336 = arith.constant 15 : i32
      %add3A_337 = arith.addi %mul3A_335, %add3A_336 : i32
      %dma_start3A_338 = arith.constant 0 : i32
      %dma_start3A_339 = tpu.memref_slice %arg10[%add3A_337, %dma_start3A_338] : memref<256x64xf32, #tpu.memory_space<vmem>> -> memref<1x64xf32, #tpu.memory_space<vmem>>
      %dma_start3A_340 = arith.constant 0 : i32
      %dma_start3A_341 = tpu.memref_slice %arg5[%squeeze3A_331, %squeeze3A_333, %dma_start3A_340] : memref<12500x8x64xf32, #tpu.memory_space<hbm>> -> memref<1x1x64xf32, #tpu.memory_space<hbm>>
      %dma_start3A_342 = tpu.memref_squeeze %dma_start3A_341 : memref<1x1x64xf32, #tpu.memory_space<hbm>> -> memref<1x64xf32, #tpu.memory_space<hbm>>
      %dma_start3A_343 = arith.constant 0 : i32
      %dma_start3A_344 = tpu.memref_slice %arg10[%add3A_337, %dma_start3A_343] : memref<256x64xf32, #tpu.memory_space<vmem>> -> memref<1x64xf32, #tpu.memory_space<vmem>>
      %dma_start3A_345 = arith.constant 0 : i32
      %dma_start3A_346 = tpu.memref_slice %arg5[%squeeze3A_331, %squeeze3A_333, %dma_start3A_345] : memref<12500x8x64xf32, #tpu.memory_space<hbm>> -> memref<1x1x64xf32, #tpu.memory_space<hbm>>
      %dma_start3A_347 = tpu.memref_squeeze %dma_start3A_346 : memref<1x1x64xf32, #tpu.memory_space<hbm>> -> memref<1x64xf32, #tpu.memory_space<hbm>>
      tpu.enqueue_dma source(%dma_start3A_347 : memref<1x64xf32, #tpu.memory_space<hbm>>) target(%dma_start3A_344 : memref<1x64xf32, #tpu.memory_space<vmem>>) target_semaphore(%arg12 : memref<!tpu.dma_semaphore, #tpu.memory_space<semaphore_mem>>)
    }
    %scan3A_31 = arith.constant 16 : i32
    %scan3A_32 = arith.constant 0 : i32
    %scan3A_33 = arith.constant 16 : i32
    %scan3A_34 = arith.addi %scan3A_32, %scan3A_33 : i32
    %scan3A_35 = arith.constant 1 : i32
    scf.for %scan3A_53 = %scan3A_32 to %scan3A_34 step %scan3A_35  : i32 {
      %mul3A_54 = arith.constant 16 : i32
      %mul3A_55 = arith.muli %scan3A_53, %mul3A_54 : i32
      %add3A_56 = arith.constant 256 : i32
      %add3A_57 = arith.addi %add3A_56, %mul3A_55 : i32
      %get3A = arith.index_cast %add3A_57 : i32 to index
      %get3A_58 = tpu.vector_load %arg9[%get3A] {strides = array<i32>} : memref<512xi32, #tpu.memory_space<vmem>>, vector<16xi32>,
      %shift_right_logical3A = arith.constant 3 : i32
      %shift_right_logical3A_59 = vector.broadcast %shift_right_logical3A : i32 to vector<16xi32>
      %shift_right_logical3A_60 = arith.shrui %get3A_58, %shift_right_logical3A_59 : vector<16xi32>
      %and3A = arith.constant 7 : i32
      %and3A_61 = vector.broadcast %and3A : i32 to vector<16xi32>
      %and3A_62 = arith.andi %get3A_58, %and3A_61 : vector<16xi32>
      %slice3A = vector.extract_strided_slice %shift_right_logical3A_60 {offsets = [0], sizes = [1], strides = [1]} : vector<16xi32> to vector<1xi32>
      %squeeze3A = vector.extract %slice3A[0] : i32 from vector<1xi32>
      %slice3A_63 = vector.extract_strided_slice %and3A_62 {offsets = [0], sizes = [1], strides = [1]} : vector<16xi32> to vector<1xi32>
      %squeeze3A_64 = vector.extract %slice3A_63[0] : i32 from vector<1xi32>
      %mul3A_65 = arith.constant 16 : i32
      %mul3A_66 = arith.muli %scan3A_53, %mul3A_65 : i32
      %add3A_67 = arith.constant 0 : i32
      %add3A_68 = arith.addi %mul3A_66, %add3A_67 : i32
      %dma_start3A = arith.constant 0 : i32
      %dma_start3A_69 = tpu.memref_slice %arg11[%add3A_68, %dma_start3A] : memref<256x64xf32, #tpu.memory_space<vmem>> -> memref<1x64xf32, #tpu.memory_space<vmem>>
      %dma_start3A_70 = arith.constant 0 : i32
      %dma_start3A_71 = tpu.memref_slice %arg5[%squeeze3A, %squeeze3A_64, %dma_start3A_70] : memref<12500x8x64xf32, #tpu.memory_space<hbm>> -> memref<1x1x64xf32, #tpu.memory_space<hbm>>
      %dma_start3A_72 = tpu.memref_squeeze %dma_start3A_71 : memref<1x1x64xf32, #tpu.memory_space<hbm>> -> memref<1x64xf32, #tpu.memory_space<hbm>>
      %dma_start3A_73 = arith.constant 0 : i32
      %dma_start3A_74 = tpu.memref_slice %arg11[%add3A_68, %dma_start3A_73] : memref<256x64xf32, #tpu.memory_space<vmem>> -> memref<1x64xf32, #tpu.memory_space<vmem>>
      %dma_start3A_75 = arith.constant 0 : i32
      %dma_start3A_76 = tpu.memref_slice %arg5[%squeeze3A, %squeeze3A_64, %dma_start3A_75] : memref<12500x8x64xf32, #tpu.memory_space<hbm>> -> memref<1x1x64xf32, #tpu.memory_space<hbm>>
      %dma_start3A_77 = tpu.memref_squeeze %dma_start3A_76 : memref<1x1x64xf32, #tpu.memory_space<hbm>> -> memref<1x64xf32, #tpu.memory_space<hbm>>
      tpu.enqueue_dma source(%dma_start3A_77 : memref<1x64xf32, #tpu.memory_space<hbm>>) target(%dma_start3A_74 : memref<1x64xf32, #tpu.memory_space<vmem>>) target_semaphore(%arg13 : memref<!tpu.dma_semaphore, #tpu.memory_space<semaphore_mem>>)
      %slice3A_78 = vector.extract_strided_slice %shift_right_logical3A_60 {offsets = [1], sizes = [1], strides = [1]} : vector<16xi32> to vector<1xi32>
      %squeeze3A_79 = vector.extract %slice3A_78[0] : i32 from vector<1xi32>
      %slice3A_80 = vector.extract_strided_slice %and3A_62 {offsets = [1], sizes = [1], strides = [1]} : vector<16xi32> to vector<1xi32>
      %squeeze3A_81 = vector.extract %slice3A_80[0] : i32 from vector<1xi32>
      %mul3A_82 = arith.constant 16 : i32
      %mul3A_83 = arith.muli %scan3A_53, %mul3A_82 : i32
      %add3A_84 = arith.constant 1 : i32
      %add3A_85 = arith.addi %mul3A_83, %add3A_84 : i32
      %dma_start3A_86 = arith.constant 0 : i32
      %dma_start3A_87 = tpu.memref_slice %arg11[%add3A_85, %dma_start3A_86] : memref<256x64xf32, #tpu.memory_space<vmem>> -> memref<1x64xf32, #tpu.memory_space<vmem>>
      %dma_start3A_88 = arith.constant 0 : i32
      %dma_start3A_89 = tpu.memref_slice %arg5[%squeeze3A_79, %squeeze3A_81, %dma_start3A_88] : memref<12500x8x64xf32, #tpu.memory_space<hbm>> -> memref<1x1x64xf32, #tpu.memory_space<hbm>>
      %dma_start3A_90 = tpu.memref_squeeze %dma_start3A_89 : memref<1x1x64xf32, #tpu.memory_space<hbm>> -> memref<1x64xf32, #tpu.memory_space<hbm>>
      %dma_start3A_91 = arith.constant 0 : i32
      %dma_start3A_92 = tpu.memref_slice %arg11[%add3A_85, %dma_start3A_91] : memref<256x64xf32, #tpu.memory_space<vmem>> -> memref<1x64xf32, #tpu.memory_space<vmem>>
      %dma_start3A_93 = arith.constant 0 : i32
      %dma_start3A_94 = tpu.memref_slice %arg5[%squeeze3A_79, %squeeze3A_81, %dma_start3A_93] : memref<12500x8x64xf32, #tpu.memory_space<hbm>> -> memref<1x1x64xf32, #tpu.memory_space<hbm>>
      %dma_start3A_95 = tpu.memref_squeeze %dma_start3A_94 : memref<1x1x64xf32, #tpu.memory_space<hbm>> -> memref<1x64xf32, #tpu.memory_space<hbm>>
      tpu.enqueue_dma source(%dma_start3A_95 : memref<1x64xf32, #tpu.memory_space<hbm>>) target(%dma_start3A_92 : memref<1x64xf32, #tpu.memory_space<vmem>>) target_semaphore(%arg13 : memref<!tpu.dma_semaphore, #tpu.memory_space<semaphore_mem>>)
      %slice3A_96 = vector.extract_strided_slice %shift_right_logical3A_60 {offsets = [2], sizes = [1], strides = [1]} : vector<16xi32> to vector<1xi32>
      %squeeze3A_97 = vector.extract %slice3A_96[0] : i32 from vector<1xi32>
      %slice3A_98 = vector.extract_strided_slice %and3A_62 {offsets = [2], sizes = [1], strides = [1]} : vector<16xi32> to vector<1xi32>
      %squeeze3A_99 = vector.extract %slice3A_98[0] : i32 from vector<1xi32>
      %mul3A_100 = arith.constant 16 : i32
      %mul3A_101 = arith.muli %scan3A_53, %mul3A_100 : i32
      %add3A_102 = arith.constant 2 : i32
      %add3A_103 = arith.addi %mul3A_101, %add3A_102 : i32
      %dma_start3A_104 = arith.constant 0 : i32
      %dma_start3A_105 = tpu.memref_slice %arg11[%add3A_103, %dma_start3A_104] : memref<256x64xf32, #tpu.memory_space<vmem>> -> memref<1x64xf32, #tpu.memory_space<vmem>>
      %dma_start3A_106 = arith.constant 0 : i32
      %dma_start3A_107 = tpu.memref_slice %arg5[%squeeze3A_97, %squeeze3A_99, %dma_start3A_106] : memref<12500x8x64xf32, #tpu.memory_space<hbm>> -> memref<1x1x64xf32, #tpu.memory_space<hbm>>
      %dma_start3A_108 = tpu.memref_squeeze %dma_start3A_107 : memref<1x1x64xf32, #tpu.memory_space<hbm>> -> memref<1x64xf32, #tpu.memory_space<hbm>>
      %dma_start3A_109 = arith.constant 0 : i32
      %dma_start3A_110 = tpu.memref_slice %arg11[%add3A_103, %dma_start3A_109] : memref<256x64xf32, #tpu.memory_space<vmem>> -> memref<1x64xf32, #tpu.memory_space<vmem>>
      %dma_start3A_111 = arith.constant 0 : i32
      %dma_start3A_112 = tpu.memref_slice %arg5[%squeeze3A_97, %squeeze3A_99, %dma_start3A_111] : memref<12500x8x64xf32, #tpu.memory_space<hbm>> -> memref<1x1x64xf32, #tpu.memory_space<hbm>>
      %dma_start3A_113 = tpu.memref_squeeze %dma_start3A_112 : memref<1x1x64xf32, #tpu.memory_space<hbm>> -> memref<1x64xf32, #tpu.memory_space<hbm>>
      tpu.enqueue_dma source(%dma_start3A_113 : memref<1x64xf32, #tpu.memory_space<hbm>>) target(%dma_start3A_110 : memref<1x64xf32, #tpu.memory_space<vmem>>) target_semaphore(%arg13 : memref<!tpu.dma_semaphore, #tpu.memory_space<semaphore_mem>>)
      %slice3A_114 = vector.extract_strided_slice %shift_right_logical3A_60 {offsets = [3], sizes = [1], strides = [1]} : vector<16xi32> to vector<1xi32>
      %squeeze3A_115 = vector.extract %slice3A_114[0] : i32 from vector<1xi32>
      %slice3A_116 = vector.extract_strided_slice %and3A_62 {offsets = [3], sizes = [1], strides = [1]} : vector<16xi32> to vector<1xi32>
      %squeeze3A_117 = vector.extract %slice3A_116[0] : i32 from vector<1xi32>
      %mul3A_118 = arith.constant 16 : i32
      %mul3A_119 = arith.muli %scan3A_53, %mul3A_118 : i32
      %add3A_120 = arith.constant 3 : i32
      %add3A_121 = arith.addi %mul3A_119, %add3A_120 : i32
      %dma_start3A_122 = arith.constant 0 : i32
      %dma_start3A_123 = tpu.memref_slice %arg11[%add3A_121, %dma_start3A_122] : memref<256x64xf32, #tpu.memory_space<vmem>> -> memref<1x64xf32, #tpu.memory_space<vmem>>
      %dma_start3A_124 = arith.constant 0 : i32
      %dma_start3A_125 = tpu.memref_slice %arg5[%squeeze3A_115, %squeeze3A_117, %dma_start3A_124] : memref<12500x8x64xf32, #tpu.memory_space<hbm>> -> memref<1x1x64xf32, #tpu.memory_space<hbm>>
      %dma_start3A_126 = tpu.memref_squeeze %dma_start3A_125 : memref<1x1x64xf32, #tpu.memory_space<hbm>> -> memref<1x64xf32, #tpu.memory_space<hbm>>
      %dma_start3A_127 = arith.constant 0 : i32
      %dma_start3A_128 = tpu.memref_slice %arg11[%add3A_121, %dma_start3A_127] : memref<256x64xf32, #tpu.memory_space<vmem>> -> memref<1x64xf32, #tpu.memory_space<vmem>>
      %dma_start3A_129 = arith.constant 0 : i32
      %dma_start3A_130 = tpu.memref_slice %arg5[%squeeze3A_115, %squeeze3A_117, %dma_start3A_129] : memref<12500x8x64xf32, #tpu.memory_space<hbm>> -> memref<1x1x64xf32, #tpu.memory_space<hbm>>
      %dma_start3A_131 = tpu.memref_squeeze %dma_start3A_130 : memref<1x1x64xf32, #tpu.memory_space<hbm>> -> memref<1x64xf32, #tpu.memory_space<hbm>>
      tpu.enqueue_dma source(%dma_start3A_131 : memref<1x64xf32, #tpu.memory_space<hbm>>) target(%dma_start3A_128 : memref<1x64xf32, #tpu.memory_space<vmem>>) target_semaphore(%arg13 : memref<!tpu.dma_semaphore, #tpu.memory_space<semaphore_mem>>)
      %slice3A_132 = vector.extract_strided_slice %shift_right_logical3A_60 {offsets = [4], sizes = [1], strides = [1]} : vector<16xi32> to vector<1xi32>
      %squeeze3A_133 = vector.extract %slice3A_132[0] : i32 from vector<1xi32>
      %slice3A_134 = vector.extract_strided_slice %and3A_62 {offsets = [4], sizes = [1], strides = [1]} : vector<16xi32> to vector<1xi32>
      %squeeze3A_135 = vector.extract %slice3A_134[0] : i32 from vector<1xi32>
      %mul3A_136 = arith.constant 16 : i32
      %mul3A_137 = arith.muli %scan3A_53, %mul3A_136 : i32
      %add3A_138 = arith.constant 4 : i32
      %add3A_139 = arith.addi %mul3A_137, %add3A_138 : i32
      %dma_start3A_140 = arith.constant 0 : i32
      %dma_start3A_141 = tpu.memref_slice %arg11[%add3A_139, %dma_start3A_140] : memref<256x64xf32, #tpu.memory_space<vmem>> -> memref<1x64xf32, #tpu.memory_space<vmem>>
      %dma_start3A_142 = arith.constant 0 : i32
      %dma_start3A_143 = tpu.memref_slice %arg5[%squeeze3A_133, %squeeze3A_135, %dma_start3A_142] : memref<12500x8x64xf32, #tpu.memory_space<hbm>> -> memref<1x1x64xf32, #tpu.memory_space<hbm>>
      %dma_start3A_144 = tpu.memref_squeeze %dma_start3A_143 : memref<1x1x64xf32, #tpu.memory_space<hbm>> -> memref<1x64xf32, #tpu.memory_space<hbm>>
      %dma_start3A_145 = arith.constant 0 : i32
      %dma_start3A_146 = tpu.memref_slice %arg11[%add3A_139, %dma_start3A_145] : memref<256x64xf32, #tpu.memory_space<vmem>> -> memref<1x64xf32, #tpu.memory_space<vmem>>
      %dma_start3A_147 = arith.constant 0 : i32
      %dma_start3A_148 = tpu.memref_slice %arg5[%squeeze3A_133, %squeeze3A_135, %dma_start3A_147] : memref<12500x8x64xf32, #tpu.memory_space<hbm>> -> memref<1x1x64xf32, #tpu.memory_space<hbm>>
      %dma_start3A_149 = tpu.memref_squeeze %dma_start3A_148 : memref<1x1x64xf32, #tpu.memory_space<hbm>> -> memref<1x64xf32, #tpu.memory_space<hbm>>
      tpu.enqueue_dma source(%dma_start3A_149 : memref<1x64xf32, #tpu.memory_space<hbm>>) target(%dma_start3A_146 : memref<1x64xf32, #tpu.memory_space<vmem>>) target_semaphore(%arg13 : memref<!tpu.dma_semaphore, #tpu.memory_space<semaphore_mem>>)
      %slice3A_150 = vector.extract_strided_slice %shift_right_logical3A_60 {offsets = [5], sizes = [1], strides = [1]} : vector<16xi32> to vector<1xi32>
      %squeeze3A_151 = vector.extract %slice3A_150[0] : i32 from vector<1xi32>
      %slice3A_152 = vector.extract_strided_slice %and3A_62 {offsets = [5], sizes = [1], strides = [1]} : vector<16xi32> to vector<1xi32>
      %squeeze3A_153 = vector.extract %slice3A_152[0] : i32 from vector<1xi32>
      %mul3A_154 = arith.constant 16 : i32
      %mul3A_155 = arith.muli %scan3A_53, %mul3A_154 : i32
      %add3A_156 = arith.constant 5 : i32
      %add3A_157 = arith.addi %mul3A_155, %add3A_156 : i32
      %dma_start3A_158 = arith.constant 0 : i32
      %dma_start3A_159 = tpu.memref_slice %arg11[%add3A_157, %dma_start3A_158] : memref<256x64xf32, #tpu.memory_space<vmem>> -> memref<1x64xf32, #tpu.memory_space<vmem>>
      %dma_start3A_160 = arith.constant 0 : i32
      %dma_start3A_161 = tpu.memref_slice %arg5[%squeeze3A_151, %squeeze3A_153, %dma_start3A_160] : memref<12500x8x64xf32, #tpu.memory_space<hbm>> -> memref<1x1x64xf32, #tpu.memory_space<hbm>>
      %dma_start3A_162 = tpu.memref_squeeze %dma_start3A_161 : memref<1x1x64xf32, #tpu.memory_space<hbm>> -> memref<1x64xf32, #tpu.memory_space<hbm>>
      %dma_start3A_163 = arith.constant 0 : i32
      %dma_start3A_164 = tpu.memref_slice %arg11[%add3A_157, %dma_start3A_163] : memref<256x64xf32, #tpu.memory_space<vmem>> -> memref<1x64xf32, #tpu.memory_space<vmem>>
      %dma_start3A_165 = arith.constant 0 : i32
      %dma_start3A_166 = tpu.memref_slice %arg5[%squeeze3A_151, %squeeze3A_153, %dma_start3A_165] : memref<12500x8x64xf32, #tpu.memory_space<hbm>> -> memref<1x1x64xf32, #tpu.memory_space<hbm>>
      %dma_start3A_167 = tpu.memref_squeeze %dma_start3A_166 : memref<1x1x64xf32, #tpu.memory_space<hbm>> -> memref<1x64xf32, #tpu.memory_space<hbm>>
      tpu.enqueue_dma source(%dma_start3A_167 : memref<1x64xf32, #tpu.memory_space<hbm>>) target(%dma_start3A_164 : memref<1x64xf32, #tpu.memory_space<vmem>>) target_semaphore(%arg13 : memref<!tpu.dma_semaphore, #tpu.memory_space<semaphore_mem>>)
      %slice3A_168 = vector.extract_strided_slice %shift_right_logical3A_60 {offsets = [6], sizes = [1], strides = [1]} : vector<16xi32> to vector<1xi32>
      %squeeze3A_169 = vector.extract %slice3A_168[0] : i32 from vector<1xi32>
      %slice3A_170 = vector.extract_strided_slice %and3A_62 {offsets = [6], sizes = [1], strides = [1]} : vector<16xi32> to vector<1xi32>
      %squeeze3A_171 = vector.extract %slice3A_170[0] : i32 from vector<1xi32>
      %mul3A_172 = arith.constant 16 : i32
      %mul3A_173 = arith.muli %scan3A_53, %mul3A_172 : i32
      %add3A_174 = arith.constant 6 : i32
      %add3A_175 = arith.addi %mul3A_173, %add3A_174 : i32
      %dma_start3A_176 = arith.constant 0 : i32
      %dma_start3A_177 = tpu.memref_slice %arg11[%add3A_175, %dma_start3A_176] : memref<256x64xf32, #tpu.memory_space<vmem>> -> memref<1x64xf32, #tpu.memory_space<vmem>>
      %dma_start3A_178 = arith.constant 0 : i32
      %dma_start3A_179 = tpu.memref_slice %arg5[%squeeze3A_169, %squeeze3A_171, %dma_start3A_178] : memref<12500x8x64xf32, #tpu.memory_space<hbm>> -> memref<1x1x64xf32, #tpu.memory_space<hbm>>
      %dma_start3A_180 = tpu.memref_squeeze %dma_start3A_179 : memref<1x1x64xf32, #tpu.memory_space<hbm>> -> memref<1x64xf32, #tpu.memory_space<hbm>>
      %dma_start3A_181 = arith.constant 0 : i32
      %dma_start3A_182 = tpu.memref_slice %arg11[%add3A_175, %dma_start3A_181] : memref<256x64xf32, #tpu.memory_space<vmem>> -> memref<1x64xf32, #tpu.memory_space<vmem>>
      %dma_start3A_183 = arith.constant 0 : i32
      %dma_start3A_184 = tpu.memref_slice %arg5[%squeeze3A_169, %squeeze3A_171, %dma_start3A_183] : memref<12500x8x64xf32, #tpu.memory_space<hbm>> -> memref<1x1x64xf32, #tpu.memory_space<hbm>>
      %dma_start3A_185 = tpu.memref_squeeze %dma_start3A_184 : memref<1x1x64xf32, #tpu.memory_space<hbm>> -> memref<1x64xf32, #tpu.memory_space<hbm>>
      tpu.enqueue_dma source(%dma_start3A_185 : memref<1x64xf32, #tpu.memory_space<hbm>>) target(%dma_start3A_182 : memref<1x64xf32, #tpu.memory_space<vmem>>) target_semaphore(%arg13 : memref<!tpu.dma_semaphore, #tpu.memory_space<semaphore_mem>>)
      %slice3A_186 = vector.extract_strided_slice %shift_right_logical3A_60 {offsets = [7], sizes = [1], strides = [1]} : vector<16xi32> to vector<1xi32>
      %squeeze3A_187 = vector.extract %slice3A_186[0] : i32 from vector<1xi32>
      %slice3A_188 = vector.extract_strided_slice %and3A_62 {offsets = [7], sizes = [1], strides = [1]} : vector<16xi32> to vector<1xi32>
      %squeeze3A_189 = vector.extract %slice3A_188[0] : i32 from vector<1xi32>
      %mul3A_190 = arith.constant 16 : i32
      %mul3A_191 = arith.muli %scan3A_53, %mul3A_190 : i32
      %add3A_192 = arith.constant 7 : i32
      %add3A_193 = arith.addi %mul3A_191, %add3A_192 : i32
      %dma_start3A_194 = arith.constant 0 : i32
      %dma_start3A_195 = tpu.memref_slice %arg11[%add3A_193, %dma_start3A_194] : memref<256x64xf32, #tpu.memory_space<vmem>> -> memref<1x64xf32, #tpu.memory_space<vmem>>
      %dma_start3A_196 = arith.constant 0 : i32
      %dma_start3A_197 = tpu.memref_slice %arg5[%squeeze3A_187, %squeeze3A_189, %dma_start3A_196] : memref<12500x8x64xf32, #tpu.memory_space<hbm>> -> memref<1x1x64xf32, #tpu.memory_space<hbm>>
      %dma_start3A_198 = tpu.memref_squeeze %dma_start3A_197 : memref<1x1x64xf32, #tpu.memory_space<hbm>> -> memref<1x64xf32, #tpu.memory_space<hbm>>
      %dma_start3A_199 = arith.constant 0 : i32
      %dma_start3A_200 = tpu.memref_slice %arg11[%add3A_193, %dma_start3A_199] : memref<256x64xf32, #tpu.memory_space<vmem>> -> memref<1x64xf32, #tpu.memory_space<vmem>>
      %dma_start3A_201 = arith.constant 0 : i32
      %dma_start3A_202 = tpu.memref_slice %arg5[%squeeze3A_187, %squeeze3A_189, %dma_start3A_201] : memref<12500x8x64xf32, #tpu.memory_space<hbm>> -> memref<1x1x64xf32, #tpu.memory_space<hbm>>
      %dma_start3A_203 = tpu.memref_squeeze %dma_start3A_202 : memref<1x1x64xf32, #tpu.memory_space<hbm>> -> memref<1x64xf32, #tpu.memory_space<hbm>>
      tpu.enqueue_dma source(%dma_start3A_203 : memref<1x64xf32, #tpu.memory_space<hbm>>) target(%dma_start3A_200 : memref<1x64xf32, #tpu.memory_space<vmem>>) target_semaphore(%arg13 : memref<!tpu.dma_semaphore, #tpu.memory_space<semaphore_mem>>)
      %slice3A_204 = vector.extract_strided_slice %shift_right_logical3A_60 {offsets = [8], sizes = [1], strides = [1]} : vector<16xi32> to vector<1xi32>
      %squeeze3A_205 = vector.extract %slice3A_204[0] : i32 from vector<1xi32>
      %slice3A_206 = vector.extract_strided_slice %and3A_62 {offsets = [8], sizes = [1], strides = [1]} : vector<16xi32> to vector<1xi32>
      %squeeze3A_207 = vector.extract %slice3A_206[0] : i32 from vector<1xi32>
      %mul3A_208 = arith.constant 16 : i32
      %mul3A_209 = arith.muli %scan3A_53, %mul3A_208 : i32
      %add3A_210 = arith.constant 8 : i32
      %add3A_211 = arith.addi %mul3A_209, %add3A_210 : i32
      %dma_start3A_212 = arith.constant 0 : i32
      %dma_start3A_213 = tpu.memref_slice %arg11[%add3A_211, %dma_start3A_212] : memref<256x64xf32, #tpu.memory_space<vmem>> -> memref<1x64xf32, #tpu.memory_space<vmem>>
      %dma_start3A_214 = arith.constant 0 : i32
      %dma_start3A_215 = tpu.memref_slice %arg5[%squeeze3A_205, %squeeze3A_207, %dma_start3A_214] : memref<12500x8x64xf32, #tpu.memory_space<hbm>> -> memref<1x1x64xf32, #tpu.memory_space<hbm>>
      %dma_start3A_216 = tpu.memref_squeeze %dma_start3A_215 : memref<1x1x64xf32, #tpu.memory_space<hbm>> -> memref<1x64xf32, #tpu.memory_space<hbm>>
      %dma_start3A_217 = arith.constant 0 : i32
      %dma_start3A_218 = tpu.memref_slice %arg11[%add3A_211, %dma_start3A_217] : memref<256x64xf32, #tpu.memory_space<vmem>> -> memref<1x64xf32, #tpu.memory_space<vmem>>
      %dma_start3A_219 = arith.constant 0 : i32
      %dma_start3A_220 = tpu.memref_slice %arg5[%squeeze3A_205, %squeeze3A_207, %dma_start3A_219] : memref<12500x8x64xf32, #tpu.memory_space<hbm>> -> memref<1x1x64xf32, #tpu.memory_space<hbm>>
      %dma_start3A_221 = tpu.memref_squeeze %dma_start3A_220 : memref<1x1x64xf32, #tpu.memory_space<hbm>> -> memref<1x64xf32, #tpu.memory_space<hbm>>
      tpu.enqueue_dma source(%dma_start3A_221 : memref<1x64xf32, #tpu.memory_space<hbm>>) target(%dma_start3A_218 : memref<1x64xf32, #tpu.memory_space<vmem>>) target_semaphore(%arg13 : memref<!tpu.dma_semaphore, #tpu.memory_space<semaphore_mem>>)
      %slice3A_222 = vector.extract_strided_slice %shift_right_logical3A_60 {offsets = [9], sizes = [1], strides = [1]} : vector<16xi32> to vector<1xi32>
      %squeeze3A_223 = vector.extract %slice3A_222[0] : i32 from vector<1xi32>
      %slice3A_224 = vector.extract_strided_slice %and3A_62 {offsets = [9], sizes = [1], strides = [1]} : vector<16xi32> to vector<1xi32>
      %squeeze3A_225 = vector.extract %slice3A_224[0] : i32 from vector<1xi32>
      %mul3A_226 = arith.constant 16 : i32
      %mul3A_227 = arith.muli %scan3A_53, %mul3A_226 : i32
      %add3A_228 = arith.constant 9 : i32
      %add3A_229 = arith.addi %mul3A_227, %add3A_228 : i32
      %dma_start3A_230 = arith.constant 0 : i32
      %dma_start3A_231 = tpu.memref_slice %arg11[%add3A_229, %dma_start3A_230] : memref<256x64xf32, #tpu.memory_space<vmem>> -> memref<1x64xf32, #tpu.memory_space<vmem>>
      %dma_start3A_232 = arith.constant 0 : i32
      %dma_start3A_233 = tpu.memref_slice %arg5[%squeeze3A_223, %squeeze3A_225, %dma_start3A_232] : memref<12500x8x64xf32, #tpu.memory_space<hbm>> -> memref<1x1x64xf32, #tpu.memory_space<hbm>>
      %dma_start3A_234 = tpu.memref_squeeze %dma_start3A_233 : memref<1x1x64xf32, #tpu.memory_space<hbm>> -> memref<1x64xf32, #tpu.memory_space<hbm>>
      %dma_start3A_235 = arith.constant 0 : i32
      %dma_start3A_236 = tpu.memref_slice %arg11[%add3A_229, %dma_start3A_235] : memref<256x64xf32, #tpu.memory_space<vmem>> -> memref<1x64xf32, #tpu.memory_space<vmem>>
      %dma_start3A_237 = arith.constant 0 : i32
      %dma_start3A_238 = tpu.memref_slice %arg5[%squeeze3A_223, %squeeze3A_225, %dma_start3A_237] : memref<12500x8x64xf32, #tpu.memory_space<hbm>> -> memref<1x1x64xf32, #tpu.memory_space<hbm>>
      %dma_start3A_239 = tpu.memref_squeeze %dma_start3A_238 : memref<1x1x64xf32, #tpu.memory_space<hbm>> -> memref<1x64xf32, #tpu.memory_space<hbm>>
      tpu.enqueue_dma source(%dma_start3A_239 : memref<1x64xf32, #tpu.memory_space<hbm>>) target(%dma_start3A_236 : memref<1x64xf32, #tpu.memory_space<vmem>>) target_semaphore(%arg13 : memref<!tpu.dma_semaphore, #tpu.memory_space<semaphore_mem>>)
      %slice3A_240 = vector.extract_strided_slice %shift_right_logical3A_60 {offsets = [10], sizes = [1], strides = [1]} : vector<16xi32> to vector<1xi32>
      %squeeze3A_241 = vector.extract %slice3A_240[0] : i32 from vector<1xi32>
      %slice3A_242 = vector.extract_strided_slice %and3A_62 {offsets = [10], sizes = [1], strides = [1]} : vector<16xi32> to vector<1xi32>
      %squeeze3A_243 = vector.extract %slice3A_242[0] : i32 from vector<1xi32>
      %mul3A_244 = arith.constant 16 : i32
      %mul3A_245 = arith.muli %scan3A_53, %mul3A_244 : i32
      %add3A_246 = arith.constant 10 : i32
      %add3A_247 = arith.addi %mul3A_245, %add3A_246 : i32
      %dma_start3A_248 = arith.constant 0 : i32
      %dma_start3A_249 = tpu.memref_slice %arg11[%add3A_247, %dma_start3A_248] : memref<256x64xf32, #tpu.memory_space<vmem>> -> memref<1x64xf32, #tpu.memory_space<vmem>>
      %dma_start3A_250 = arith.constant 0 : i32
      %dma_start3A_251 = tpu.memref_slice %arg5[%squeeze3A_241, %squeeze3A_243, %dma_start3A_250] : memref<12500x8x64xf32, #tpu.memory_space<hbm>> -> memref<1x1x64xf32, #tpu.memory_space<hbm>>
      %dma_start3A_252 = tpu.memref_squeeze %dma_start3A_251 : memref<1x1x64xf32, #tpu.memory_space<hbm>> -> memref<1x64xf32, #tpu.memory_space<hbm>>
      %dma_start3A_253 = arith.constant 0 : i32
      %dma_start3A_254 = tpu.memref_slice %arg11[%add3A_247, %dma_start3A_253] : memref<256x64xf32, #tpu.memory_space<vmem>> -> memref<1x64xf32, #tpu.memory_space<vmem>>
      %dma_start3A_255 = arith.constant 0 : i32
      %dma_start3A_256 = tpu.memref_slice %arg5[%squeeze3A_241, %squeeze3A_243, %dma_start3A_255] : memref<12500x8x64xf32, #tpu.memory_space<hbm>> -> memref<1x1x64xf32, #tpu.memory_space<hbm>>
      %dma_start3A_257 = tpu.memref_squeeze %dma_start3A_256 : memref<1x1x64xf32, #tpu.memory_space<hbm>> -> memref<1x64xf32, #tpu.memory_space<hbm>>
      tpu.enqueue_dma source(%dma_start3A_257 : memref<1x64xf32, #tpu.memory_space<hbm>>) target(%dma_start3A_254 : memref<1x64xf32, #tpu.memory_space<vmem>>) target_semaphore(%arg13 : memref<!tpu.dma_semaphore, #tpu.memory_space<semaphore_mem>>)
      %slice3A_258 = vector.extract_strided_slice %shift_right_logical3A_60 {offsets = [11], sizes = [1], strides = [1]} : vector<16xi32> to vector<1xi32>
      %squeeze3A_259 = vector.extract %slice3A_258[0] : i32 from vector<1xi32>
      %slice3A_260 = vector.extract_strided_slice %and3A_62 {offsets = [11], sizes = [1], strides = [1]} : vector<16xi32> to vector<1xi32>
      %squeeze3A_261 = vector.extract %slice3A_260[0] : i32 from vector<1xi32>
      %mul3A_262 = arith.constant 16 : i32
      %mul3A_263 = arith.muli %scan3A_53, %mul3A_262 : i32
      %add3A_264 = arith.constant 11 : i32
      %add3A_265 = arith.addi %mul3A_263, %add3A_264 : i32
      %dma_start3A_266 = arith.constant 0 : i32
      %dma_start3A_267 = tpu.memref_slice %arg11[%add3A_265, %dma_start3A_266] : memref<256x64xf32, #tpu.memory_space<vmem>> -> memref<1x64xf32, #tpu.memory_space<vmem>>
      %dma_start3A_268 = arith.constant 0 : i32
      %dma_start3A_269 = tpu.memref_slice %arg5[%squeeze3A_259, %squeeze3A_261, %dma_start3A_268] : memref<12500x8x64xf32, #tpu.memory_space<hbm>> -> memref<1x1x64xf32, #tpu.memory_space<hbm>>
      %dma_start3A_270 = tpu.memref_squeeze %dma_start3A_269 : memref<1x1x64xf32, #tpu.memory_space<hbm>> -> memref<1x64xf32, #tpu.memory_space<hbm>>
      %dma_start3A_271 = arith.constant 0 : i32
      %dma_start3A_272 = tpu.memref_slice %arg11[%add3A_265, %dma_start3A_271] : memref<256x64xf32, #tpu.memory_space<vmem>> -> memref<1x64xf32, #tpu.memory_space<vmem>>
      %dma_start3A_273 = arith.constant 0 : i32
      %dma_start3A_274 = tpu.memref_slice %arg5[%squeeze3A_259, %squeeze3A_261, %dma_start3A_273] : memref<12500x8x64xf32, #tpu.memory_space<hbm>> -> memref<1x1x64xf32, #tpu.memory_space<hbm>>
      %dma_start3A_275 = tpu.memref_squeeze %dma_start3A_274 : memref<1x1x64xf32, #tpu.memory_space<hbm>> -> memref<1x64xf32, #tpu.memory_space<hbm>>
      tpu.enqueue_dma source(%dma_start3A_275 : memref<1x64xf32, #tpu.memory_space<hbm>>) target(%dma_start3A_272 : memref<1x64xf32, #tpu.memory_space<vmem>>) target_semaphore(%arg13 : memref<!tpu.dma_semaphore, #tpu.memory_space<semaphore_mem>>)
      %slice3A_276 = vector.extract_strided_slice %shift_right_logical3A_60 {offsets = [12], sizes = [1], strides = [1]} : vector<16xi32> to vector<1xi32>
      %squeeze3A_277 = vector.extract %slice3A_276[0] : i32 from vector<1xi32>
      %slice3A_278 = vector.extract_strided_slice %and3A_62 {offsets = [12], sizes = [1], strides = [1]} : vector<16xi32> to vector<1xi32>
      %squeeze3A_279 = vector.extract %slice3A_278[0] : i32 from vector<1xi32>
      %mul3A_280 = arith.constant 16 : i32
      %mul3A_281 = arith.muli %scan3A_53, %mul3A_280 : i32
      %add3A_282 = arith.constant 12 : i32
      %add3A_283 = arith.addi %mul3A_281, %add3A_282 : i32
      %dma_start3A_284 = arith.constant 0 : i32
      %dma_start3A_285 = tpu.memref_slice %arg11[%add3A_283, %dma_start3A_284] : memref<256x64xf32, #tpu.memory_space<vmem>> -> memref<1x64xf32, #tpu.memory_space<vmem>>
      %dma_start3A_286 = arith.constant 0 : i32
      %dma_start3A_287 = tpu.memref_slice %arg5[%squeeze3A_277, %squeeze3A_279, %dma_start3A_286] : memref<12500x8x64xf32, #tpu.memory_space<hbm>> -> memref<1x1x64xf32, #tpu.memory_space<hbm>>
      %dma_start3A_288 = tpu.memref_squeeze %dma_start3A_287 : memref<1x1x64xf32, #tpu.memory_space<hbm>> -> memref<1x64xf32, #tpu.memory_space<hbm>>
      %dma_start3A_289 = arith.constant 0 : i32
      %dma_start3A_290 = tpu.memref_slice %arg11[%add3A_283, %dma_start3A_289] : memref<256x64xf32, #tpu.memory_space<vmem>> -> memref<1x64xf32, #tpu.memory_space<vmem>>
      %dma_start3A_291 = arith.constant 0 : i32
      %dma_start3A_292 = tpu.memref_slice %arg5[%squeeze3A_277, %squeeze3A_279, %dma_start3A_291] : memref<12500x8x64xf32, #tpu.memory_space<hbm>> -> memref<1x1x64xf32, #tpu.memory_space<hbm>>
      %dma_start3A_293 = tpu.memref_squeeze %dma_start3A_292 : memref<1x1x64xf32, #tpu.memory_space<hbm>> -> memref<1x64xf32, #tpu.memory_space<hbm>>
      tpu.enqueue_dma source(%dma_start3A_293 : memref<1x64xf32, #tpu.memory_space<hbm>>) target(%dma_start3A_290 : memref<1x64xf32, #tpu.memory_space<vmem>>) target_semaphore(%arg13 : memref<!tpu.dma_semaphore, #tpu.memory_space<semaphore_mem>>)
      %slice3A_294 = vector.extract_strided_slice %shift_right_logical3A_60 {offsets = [13], sizes = [1], strides = [1]} : vector<16xi32> to vector<1xi32>
      %squeeze3A_295 = vector.extract %slice3A_294[0] : i32 from vector<1xi32>
      %slice3A_296 = vector.extract_strided_slice %and3A_62 {offsets = [13], sizes = [1], strides = [1]} : vector<16xi32> to vector<1xi32>
      %squeeze3A_297 = vector.extract %slice3A_296[0] : i32 from vector<1xi32>
      %mul3A_298 = arith.constant 16 : i32
      %mul3A_299 = arith.muli %scan3A_53, %mul3A_298 : i32
      %add3A_300 = arith.constant 13 : i32
      %add3A_301 = arith.addi %mul3A_299, %add3A_300 : i32
      %dma_start3A_302 = arith.constant 0 : i32
      %dma_start3A_303 = tpu.memref_slice %arg11[%add3A_301, %dma_start3A_302] : memref<256x64xf32, #tpu.memory_space<vmem>> -> memref<1x64xf32, #tpu.memory_space<vmem>>
      %dma_start3A_304 = arith.constant 0 : i32
      %dma_start3A_305 = tpu.memref_slice %arg5[%squeeze3A_295, %squeeze3A_297, %dma_start3A_304] : memref<12500x8x64xf32, #tpu.memory_space<hbm>> -> memref<1x1x64xf32, #tpu.memory_space<hbm>>
      %dma_start3A_306 = tpu.memref_squeeze %dma_start3A_305 : memref<1x1x64xf32, #tpu.memory_space<hbm>> -> memref<1x64xf32, #tpu.memory_space<hbm>>
      %dma_start3A_307 = arith.constant 0 : i32
      %dma_start3A_308 = tpu.memref_slice %arg11[%add3A_301, %dma_start3A_307] : memref<256x64xf32, #tpu.memory_space<vmem>> -> memref<1x64xf32, #tpu.memory_space<vmem>>
      %dma_start3A_309 = arith.constant 0 : i32
      %dma_start3A_310 = tpu.memref_slice %arg5[%squeeze3A_295, %squeeze3A_297, %dma_start3A_309] : memref<12500x8x64xf32, #tpu.memory_space<hbm>> -> memref<1x1x64xf32, #tpu.memory_space<hbm>>
      %dma_start3A_311 = tpu.memref_squeeze %dma_start3A_310 : memref<1x1x64xf32, #tpu.memory_space<hbm>> -> memref<1x64xf32, #tpu.memory_space<hbm>>
      tpu.enqueue_dma source(%dma_start3A_311 : memref<1x64xf32, #tpu.memory_space<hbm>>) target(%dma_start3A_308 : memref<1x64xf32, #tpu.memory_space<vmem>>) target_semaphore(%arg13 : memref<!tpu.dma_semaphore, #tpu.memory_space<semaphore_mem>>)
      %slice3A_312 = vector.extract_strided_slice %shift_right_logical3A_60 {offsets = [14], sizes = [1], strides = [1]} : vector<16xi32> to vector<1xi32>
      %squeeze3A_313 = vector.extract %slice3A_312[0] : i32 from vector<1xi32>
      %slice3A_314 = vector.extract_strided_slice %and3A_62 {offsets = [14], sizes = [1], strides = [1]} : vector<16xi32> to vector<1xi32>
      %squeeze3A_315 = vector.extract %slice3A_314[0] : i32 from vector<1xi32>
      %mul3A_316 = arith.constant 16 : i32
      %mul3A_317 = arith.muli %scan3A_53, %mul3A_316 : i32
      %add3A_318 = arith.constant 14 : i32
      %add3A_319 = arith.addi %mul3A_317, %add3A_318 : i32
      %dma_start3A_320 = arith.constant 0 : i32
      %dma_start3A_321 = tpu.memref_slice %arg11[%add3A_319, %dma_start3A_320] : memref<256x64xf32, #tpu.memory_space<vmem>> -> memref<1x64xf32, #tpu.memory_space<vmem>>
      %dma_start3A_322 = arith.constant 0 : i32
      %dma_start3A_323 = tpu.memref_slice %arg5[%squeeze3A_313, %squeeze3A_315, %dma_start3A_322] : memref<12500x8x64xf32, #tpu.memory_space<hbm>> -> memref<1x1x64xf32, #tpu.memory_space<hbm>>
      %dma_start3A_324 = tpu.memref_squeeze %dma_start3A_323 : memref<1x1x64xf32, #tpu.memory_space<hbm>> -> memref<1x64xf32, #tpu.memory_space<hbm>>
      %dma_start3A_325 = arith.constant 0 : i32
      %dma_start3A_326 = tpu.memref_slice %arg11[%add3A_319, %dma_start3A_325] : memref<256x64xf32, #tpu.memory_space<vmem>> -> memref<1x64xf32, #tpu.memory_space<vmem>>
      %dma_start3A_327 = arith.constant 0 : i32
      %dma_start3A_328 = tpu.memref_slice %arg5[%squeeze3A_313, %squeeze3A_315, %dma_start3A_327] : memref<12500x8x64xf32, #tpu.memory_space<hbm>> -> memref<1x1x64xf32, #tpu.memory_space<hbm>>
      %dma_start3A_329 = tpu.memref_squeeze %dma_start3A_328 : memref<1x1x64xf32, #tpu.memory_space<hbm>> -> memref<1x64xf32, #tpu.memory_space<hbm>>
      tpu.enqueue_dma source(%dma_start3A_329 : memref<1x64xf32, #tpu.memory_space<hbm>>) target(%dma_start3A_326 : memref<1x64xf32, #tpu.memory_space<vmem>>) target_semaphore(%arg13 : memref<!tpu.dma_semaphore, #tpu.memory_space<semaphore_mem>>)
      %slice3A_330 = vector.extract_strided_slice %shift_right_logical3A_60 {offsets = [15], sizes = [1], strides = [1]} : vector<16xi32> to vector<1xi32>
      %squeeze3A_331 = vector.extract %slice3A_330[0] : i32 from vector<1xi32>
      %slice3A_332 = vector.extract_strided_slice %and3A_62 {offsets = [15], sizes = [1], strides = [1]} : vector<16xi32> to vector<1xi32>
      %squeeze3A_333 = vector.extract %slice3A_332[0] : i32 from vector<1xi32>
      %mul3A_334 = arith.constant 16 : i32
      %mul3A_335 = arith.muli %scan3A_53, %mul3A_334 : i32
      %add3A_336 = arith.constant 15 : i32
      %add3A_337 = arith.addi %mul3A_335, %add3A_336 : i32
      %dma_start3A_338 = arith.constant 0 : i32
      %dma_start3A_339 = tpu.memref_slice %arg11[%add3A_337, %dma_start3A_338] : memref<256x64xf32, #tpu.memory_space<vmem>> -> memref<1x64xf32, #tpu.memory_space<vmem>>
      %dma_start3A_340 = arith.constant 0 : i32
      %dma_start3A_341 = tpu.memref_slice %arg5[%squeeze3A_331, %squeeze3A_333, %dma_start3A_340] : memref<12500x8x64xf32, #tpu.memory_space<hbm>> -> memref<1x1x64xf32, #tpu.memory_space<hbm>>
      %dma_start3A_342 = tpu.memref_squeeze %dma_start3A_341 : memref<1x1x64xf32, #tpu.memory_space<hbm>> -> memref<1x64xf32, #tpu.memory_space<hbm>>
      %dma_start3A_343 = arith.constant 0 : i32
      %dma_start3A_344 = tpu.memref_slice %arg11[%add3A_337, %dma_start3A_343] : memref<256x64xf32, #tpu.memory_space<vmem>> -> memref<1x64xf32, #tpu.memory_space<vmem>>
      %dma_start3A_345 = arith.constant 0 : i32
      %dma_start3A_346 = tpu.memref_slice %arg5[%squeeze3A_331, %squeeze3A_333, %dma_start3A_345] : memref<12500x8x64xf32, #tpu.memory_space<hbm>> -> memref<1x1x64xf32, #tpu.memory_space<hbm>>
      %dma_start3A_347 = tpu.memref_squeeze %dma_start3A_346 : memref<1x1x64xf32, #tpu.memory_space<hbm>> -> memref<1x64xf32, #tpu.memory_space<hbm>>
      tpu.enqueue_dma source(%dma_start3A_347 : memref<1x64xf32, #tpu.memory_space<hbm>>) target(%dma_start3A_344 : memref<1x64xf32, #tpu.memory_space<vmem>>) target_semaphore(%arg13 : memref<!tpu.dma_semaphore, #tpu.memory_space<semaphore_mem>>)
    }
    %scan3A_36 = arith.constant 16 : i32
    %dma_wait3A_37 = arith.constant 0 : i32
    %dma_wait3A_38 = arith.constant 0 : i32
    %dma_wait3A_39 = tpu.memref_slice %arg7[%dma_wait3A_37, %dma_wait3A_38] : memref<16384x64xf32, #tpu.memory_space<hbm>> -> memref<256x64xf32, #tpu.memory_space<hbm>>
    %dma_wait3A_40 = arith.constant 0 : i32
    %dma_wait3A_41 = arith.constant 0 : i32
    %dma_wait3A_42 = tpu.memref_slice %arg7[%dma_wait3A_40, %dma_wait3A_41] : memref<16384x64xf32, #tpu.memory_space<hbm>> -> memref<256x64xf32, #tpu.memory_space<hbm>>
    tpu.wait_dma2 semaphore(%arg12 : memref<!tpu.dma_semaphore, #tpu.memory_space<semaphore_mem>>) src(%dma_wait3A_42 : memref<256x64xf32, #tpu.memory_space<hbm>>) dst(%arg10 : memref<256x64xf32, #tpu.memory_space<vmem>>)
    %add3A_43 = arith.constant 0 : i32
    %add3A_44 = arith.addi %mul3A_2, %add3A_43 : i32
    "tpu.region"() ({
      %run_scoped3A = tpu.sem_alloc : memref<!tpu.dma_semaphore, #tpu.memory_space<semaphore_mem>>
      %dma_start3A = arith.constant 0 : i32
      %dma_start3A_53 = tpu.memref_slice %arg7[%add3A_44, %dma_start3A] : memref<16384x64xf32, #tpu.memory_space<hbm>> -> memref<256x64xf32, #tpu.memory_space<hbm>>
      %dma_start3A_54 = arith.constant 0 : i32
      %dma_start3A_55 = tpu.memref_slice %arg7[%add3A_44, %dma_start3A_54] : memref<16384x64xf32, #tpu.memory_space<hbm>> -> memref<256x64xf32, #tpu.memory_space<hbm>>
      tpu.enqueue_dma source(%arg10 : memref<256x64xf32, #tpu.memory_space<vmem>>) target(%dma_start3A_55 : memref<256x64xf32, #tpu.memory_space<hbm>>) target_semaphore(%run_scoped3A : memref<!tpu.dma_semaphore, #tpu.memory_space<semaphore_mem>>)
      %dma_wait3A_56 = arith.constant 0 : i32
      %dma_wait3A_57 = tpu.memref_slice %arg7[%add3A_44, %dma_wait3A_56] : memref<16384x64xf32, #tpu.memory_space<hbm>> -> memref<256x64xf32, #tpu.memory_space<hbm>>
      %dma_wait3A_58 = arith.constant 0 : i32
      %dma_wait3A_59 = tpu.memref_slice %arg7[%add3A_44, %dma_wait3A_58] : memref<16384x64xf32, #tpu.memory_space<hbm>> -> memref<256x64xf32, #tpu.memory_space<hbm>>
      tpu.wait_dma2 semaphore(%run_scoped3A : memref<!tpu.dma_semaphore, #tpu.memory_space<semaphore_mem>>) src(%arg10 : memref<256x64xf32, #tpu.memory_space<vmem>>) dst(%dma_wait3A_59 : memref<256x64xf32, #tpu.memory_space<hbm>>)
      tpu.yield
    }) : () -> ()
    %dma_wait3A_45 = arith.constant 0 : i32
    %dma_wait3A_46 = arith.constant 0 : i32
    %dma_wait3A_47 = tpu.memref_slice %arg7[%dma_wait3A_45, %dma_wait3A_46] : memref<16384x64xf32, #tpu.memory_space<hbm>> -> memref<256x64xf32, #tpu.memory_space<hbm>>
    %dma_wait3A_48 = arith.constant 0 : i32
    %dma_wait3A_49 = arith.constant 0 : i32
    %dma_wait3A_50 = tpu.memref_slice %arg7[%dma_wait3A_48, %dma_wait3A_49] : memref<16384x64xf32, #tpu.memory_space<hbm>> -> memref<256x64xf32, #tpu.memory_space<hbm>>
    tpu.wait_dma2 semaphore(%arg13 : memref<!tpu.dma_semaphore, #tpu.memory_space<semaphore_mem>>) src(%dma_wait3A_50 : memref<256x64xf32, #tpu.memory_space<hbm>>) dst(%arg11 : memref<256x64xf32, #tpu.memory_space<vmem>>)
    %add3A_51 = arith.constant 256 : i32
    %add3A_52 = arith.addi %mul3A_2, %add3A_51 : i32
    "tpu.region"() ({
      %run_scoped3A = tpu.sem_alloc : memref<!tpu.dma_semaphore, #tpu.memory_space<semaphore_mem>>
      %dma_start3A = arith.constant 0 : i32
      %dma_start3A_53 = tpu.memref_slice %arg7[%add3A_52, %dma_start3A] : memref<16384x64xf32, #tpu.memory_space<hbm>> -> memref<256x64xf32, #tpu.memory_space<hbm>>
      %dma_start3A_54 = arith.constant 0 : i32
      %dma_start3A_55 = tpu.memref_slice %arg7[%add3A_52, %dma_start3A_54] : memref<16384x64xf32, #tpu.memory_space<hbm>> -> memref<256x64xf32, #tpu.memory_space<hbm>>
      tpu.enqueue_dma source(%arg11 : memref<256x64xf32, #tpu.memory_space<vmem>>) target(%dma_start3A_55 : memref<256x64xf32, #tpu.memory_space<hbm>>) target_semaphore(%run_scoped3A : memref<!tpu.dma_semaphore, #tpu.memory_space<semaphore_mem>>)
      %dma_wait3A_56 = arith.constant 0 : i32
      %dma_wait3A_57 = tpu.memref_slice %arg7[%add3A_52, %dma_wait3A_56] : memref<16384x64xf32, #tpu.memory_space<hbm>> -> memref<256x64xf32, #tpu.memory_space<hbm>>
      %dma_wait3A_58 = arith.constant 0 : i32
      %dma_wait3A_59 = tpu.memref_slice %arg7[%add3A_52, %dma_wait3A_58] : memref<16384x64xf32, #tpu.memory_space<hbm>> -> memref<256x64xf32, #tpu.memory_space<hbm>>
      tpu.wait_dma2 semaphore(%run_scoped3A : memref<!tpu.dma_semaphore, #tpu.memory_space<semaphore_mem>>) src(%arg11 : memref<256x64xf32, #tpu.memory_space<vmem>>) dst(%dma_wait3A_59 : memref<256x64xf32, #tpu.memory_space<hbm>>)
      tpu.yield
    }) : () -> ()
    return
  }
}

module attributes {stable_mosaic.version = 14 : i64} {
  func.func @_mlp_body(%arg0: i32, %arg1: memref<2048x64xf32, #tpu.memory_space<vmem>>, %arg2: memref<2048x64xf32, #tpu.memory_space<vmem>>, %arg3: memref<64x64xf32, #tpu.memory_space<vmem>>, %arg4: memref<64x64xf32, #tpu.memory_space<vmem>>, %arg5: memref<1x64xf32, #tpu.memory_space<vmem>>, %arg6: memref<64x32xf32, #tpu.memory_space<vmem>>, %arg7: memref<1x32xf32, #tpu.memory_space<vmem>>, %arg8: memref<1x32xf32, #tpu.memory_space<vmem>>, %arg9: memref<1x1xf32, #tpu.memory_space<vmem>>, %arg10: memref<2048xf32, #tpu.memory_space<vmem>>) attributes {dimension_semantics = [#tpu.dimension_semantics<arbitrary>], iteration_bounds = array<i64: 8>, scalar_prefetch = 0 : i64, scratch_operands = 0 : i64, tpu.core_type = #tpu.core_type<tc>, window_params = [{transform_indices = @transform_0, window_bounds = array<i64: 2048, 64>}, {transform_indices = @transform_1, window_bounds = array<i64: 2048, 64>}, {pipeline_mode = #tpu.pipeline_mode<synchronous>, transform_indices = @transform_2, window_bounds = array<i64: 64, 64>}, {pipeline_mode = #tpu.pipeline_mode<synchronous>, transform_indices = @transform_3, window_bounds = array<i64: 64, 64>}, {pipeline_mode = #tpu.pipeline_mode<synchronous>, transform_indices = @transform_4, window_bounds = array<i64: 1, 64>}, {pipeline_mode = #tpu.pipeline_mode<synchronous>, transform_indices = @transform_5, window_bounds = array<i64: 64, 32>}, {pipeline_mode = #tpu.pipeline_mode<synchronous>, transform_indices = @transform_6, window_bounds = array<i64: 1, 32>}, {pipeline_mode = #tpu.pipeline_mode<synchronous>, transform_indices = @transform_7, window_bounds = array<i64: 1, 32>}, {pipeline_mode = #tpu.pipeline_mode<synchronous>, transform_indices = @transform_8, window_bounds = array<i64: 1, 1>}, {transform_indices = @transform_9, window_bounds = array<i64: 2048>}]} {
    %get3A = arith.constant 0 : index
    %get3A_0 = arith.constant 0 : index
    %get3A_1 = vector.load %arg1[%get3A, %get3A_0] : memref<2048x64xf32, #tpu.memory_space<vmem>>, vector<2048x64xf32>
    %get3A_2 = arith.constant 0 : index
    %get3A_3 = arith.constant 0 : index
    %get3A_4 = vector.load %arg3[%get3A_2, %get3A_3] : memref<64x64xf32, #tpu.memory_space<vmem>>, vector<64x64xf32>
    %dot_general3A = arith.constant dense<0.000000e+00> : vector<2048x64xf32>
    %dot_general3A_5 = tpu.matmul %get3A_1, %get3A_4, %dot_general3A {dimension_numbers = #tpu.dot_dimension_numbers<[1], [0], [0], [1], [0, 0, 1, 1], [], []>, transpose_lhs_hint = false} : vector<2048x64xf32>, vector<64x64xf32>, vector<2048x64xf32> -> vector<2048x64xf32>
    %get3A_6 = arith.constant 0 : index
    %get3A_7 = arith.constant 0 : index
    %get3A_8 = vector.load %arg2[%get3A_6, %get3A_7] : memref<2048x64xf32, #tpu.memory_space<vmem>>, vector<2048x64xf32>
    %get3A_9 = arith.constant 0 : index
    %get3A_10 = arith.constant 0 : index
    %get3A_11 = vector.load %arg4[%get3A_9, %get3A_10] : memref<64x64xf32, #tpu.memory_space<vmem>>, vector<64x64xf32>
    %dot_general3A_12 = arith.constant dense<0.000000e+00> : vector<2048x64xf32>
    %dot_general3A_13 = tpu.matmul %get3A_8, %get3A_11, %dot_general3A_12 {dimension_numbers = #tpu.dot_dimension_numbers<[1], [0], [0], [1], [0, 0, 1, 1], [], []>, transpose_lhs_hint = false} : vector<2048x64xf32>, vector<64x64xf32>, vector<2048x64xf32> -> vector<2048x64xf32>
    %add3A = arith.addf %dot_general3A_5, %dot_general3A_13 : vector<2048x64xf32>
    %get3A_14 = arith.constant 0 : index
    %get3A_15 = arith.constant 0 : index
    %get3A_16 = vector.load %arg5[%get3A_14, %get3A_15] : memref<1x64xf32, #tpu.memory_space<vmem>>, vector<1x64xf32>
    %add3A_17 = vector.broadcast %get3A_16 : vector<1x64xf32> to vector<2048x64xf32>
    %add3A_18 = arith.addf %add3A, %add3A_17 : vector<2048x64xf32>
    %max3A = arith.constant 0.000000e+00 : f32
    %max3A_19 = vector.broadcast %max3A : f32 to vector<2048x64xf32>
    %max3A_20 = arith.maximumf %add3A_18, %max3A_19 : vector<2048x64xf32>
    %get3A_21 = arith.constant 0 : index
    %get3A_22 = arith.constant 0 : index
    %get3A_23 = vector.load %arg6[%get3A_21, %get3A_22] : memref<64x32xf32, #tpu.memory_space<vmem>>, vector<64x32xf32>
    %dot_general3A_24 = arith.constant dense<0.000000e+00> : vector<2048x32xf32>
    %dot_general3A_25 = tpu.matmul %max3A_20, %get3A_23, %dot_general3A_24 {dimension_numbers = #tpu.dot_dimension_numbers<[1], [0], [0], [1], [0, 0, 1, 1], [], []>, transpose_lhs_hint = false} : vector<2048x64xf32>, vector<64x32xf32>, vector<2048x32xf32> -> vector<2048x32xf32>
    %get3A_26 = arith.constant 0 : index
    %get3A_27 = arith.constant 0 : index
    %get3A_28 = vector.load %arg7[%get3A_26, %get3A_27] : memref<1x32xf32, #tpu.memory_space<vmem>>, vector<1x32xf32>
    %add3A_29 = vector.broadcast %get3A_28 : vector<1x32xf32> to vector<2048x32xf32>
    %add3A_30 = arith.addf %dot_general3A_25, %add3A_29 : vector<2048x32xf32>
    %max3A_31 = arith.constant 0.000000e+00 : f32
    %max3A_32 = vector.broadcast %max3A_31 : f32 to vector<2048x32xf32>
    %max3A_33 = arith.maximumf %add3A_30, %max3A_32 : vector<2048x32xf32>
    %get3A_34 = arith.constant 0 : index
    %get3A_35 = arith.constant 0 : index
    %get3A_36 = vector.load %arg8[%get3A_34, %get3A_35] : memref<1x32xf32, #tpu.memory_space<vmem>>, vector<1x32xf32>
    %mul3A = vector.broadcast %get3A_36 : vector<1x32xf32> to vector<2048x32xf32>
    %mul3A_37 = arith.mulf %max3A_33, %mul3A : vector<2048x32xf32>
    %reduce_sum3A = arith.constant dense<0.000000e+00> : vector<2048xf32>
    %reduce_sum3A_38 = vector.multi_reduction <add>, %mul3A_37, %reduce_sum3A [1] : vector<2048x32xf32> to vector<2048xf32>
    %get3A_39 = arith.constant 0 : index
    %get3A_40 = arith.constant 0 : index
    %get3A_41 = vector.load %arg9[%get3A_39, %get3A_40] : memref<1x1xf32, #tpu.memory_space<vmem>>, vector<1x1xf32>
    %get3A_42 = vector.extract %get3A_41[0, 0] : f32 from vector<1x1xf32>
    %add3A_43 = vector.broadcast %get3A_42 : f32 to vector<2048xf32>
    %add3A_44 = arith.addf %reduce_sum3A_38, %add3A_43 : vector<2048xf32>
    %swap3A = arith.constant 0 : index
    %swap3A_45 = vector.load %arg10[%swap3A] : memref<2048xf32, #tpu.memory_space<vmem>>, vector<2048xf32>
    tpu.vector_store %arg10[%swap3A], %add3A_44 {strides = array<i32>} : memref<2048xf32, #tpu.memory_space<vmem>>, vector<2048xf32>,
    return
  }
  func.func @transform_0(%arg0: i32) -> (i32, i32) {
    %c0_i32 = arith.constant 0 : i32
    %c0_i32_0 = arith.constant 0 : i32
    return %arg0, %c0_i32 : i32, i32
  }
  func.func @transform_1(%arg0: i32) -> (i32, i32) {
    %c0_i32 = arith.constant 0 : i32
    %c0_i32_0 = arith.constant 0 : i32
    return %arg0, %c0_i32 : i32, i32
  }
  func.func @transform_2(%arg0: i32) -> (i32, i32) {
    %c0_i32 = arith.constant 0 : i32
    %c0_i32_0 = arith.constant 0 : i32
    %c0_i32_1 = arith.constant 0 : i32
    return %c0_i32, %c0_i32_0 : i32, i32
  }
  func.func @transform_3(%arg0: i32) -> (i32, i32) {
    %c0_i32 = arith.constant 0 : i32
    %c0_i32_0 = arith.constant 0 : i32
    %c0_i32_1 = arith.constant 0 : i32
    return %c0_i32, %c0_i32_0 : i32, i32
  }
  func.func @transform_4(%arg0: i32) -> (i32, i32) {
    %c0_i32 = arith.constant 0 : i32
    %c0_i32_0 = arith.constant 0 : i32
    %c0_i32_1 = arith.constant 0 : i32
    return %c0_i32, %c0_i32_0 : i32, i32
  }
  func.func @transform_5(%arg0: i32) -> (i32, i32) {
    %c0_i32 = arith.constant 0 : i32
    %c0_i32_0 = arith.constant 0 : i32
    %c0_i32_1 = arith.constant 0 : i32
    return %c0_i32, %c0_i32_0 : i32, i32
  }
  func.func @transform_6(%arg0: i32) -> (i32, i32) {
    %c0_i32 = arith.constant 0 : i32
    %c0_i32_0 = arith.constant 0 : i32
    %c0_i32_1 = arith.constant 0 : i32
    return %c0_i32, %c0_i32_0 : i32, i32
  }
  func.func @transform_7(%arg0: i32) -> (i32, i32) {
    %c0_i32 = arith.constant 0 : i32
    %c0_i32_0 = arith.constant 0 : i32
    %c0_i32_1 = arith.constant 0 : i32
    return %c0_i32, %c0_i32_0 : i32, i32
  }
  func.func @transform_8(%arg0: i32) -> (i32, i32) {
    %c0_i32 = arith.constant 0 : i32
    %c0_i32_0 = arith.constant 0 : i32
    %c0_i32_1 = arith.constant 0 : i32
    return %c0_i32, %c0_i32_0 : i32, i32
  }
  func.func @transform_9(%arg0: i32) -> i32 {
    %c0_i32 = arith.constant 0 : i32
    return %arg0 : i32
  }
}

</mosaic_0001>

<sc_bundles>
// kernel: kernel.4.cloned.1.call-start
scs
__scs_entry_jumppad:
0x0: {  	(pc) =	sbr.rel $0x88, $3  }
0x1: {  	(tag) =	ssettag $0x0;
	lr =	simm.s32 $0x1  }
0x2: {  	[smem:$0x3F97] =	sst lr;
	_ =	strace $0xD0000000  }
0x3: {  	_ = 	snop  }
0x4: {  	_ = 	snop  }
0x5: {  	_ = 	snop  }
0x6: {  	_ = 	snop  }
0x7: {  	_ = 	snop  }
__scs_overlays_trampoline_lowered:
0x8: {  	[smem:$0x3FA6] =	sst s0  }
0x9: {  	[smem:$0x3FA7] =	sst s1  }
0xa: {  	[smem:$0x3FA8] =	sst s2  }
0xb: {  	[smem:$0x3FA9] =	sst s3  }
0xc: {  	[smem:$0x3FAA] =	sst s4  }
0xd: {  	[smem:$0x3FAB] =	sst s5  }
0xe: {  	[smem:$0x3FAC] =	sst s6  }
0xf: {  	[smem:$0x3FAD] =	sst s7  }
0x10: {  	[smem:$0x3FAE] =	sst s8  }
0x11: {  	[smem:$0x3FAF] =	sst s9;
	s0 =	simm.s32 @!p0 $0x0  }
0x12: {  	s1 =	sld [smem:$0x3F95];
	s0 =	simm.s32 @p0 $0x1  }
0x13: {  	[smem:$0x3FB0] =	sst s0;
	s0 =	simm.s32 @!p1 $0x0  }
0x14: {  	s2 =	sld [smem:$0x3F94];
	s0 =	simm.s32 @p1 $0x1  }
0x15: {  	[smem:$0x3FB1] =	sst s0;
	s0 =	simm.s32 @!p2 $0x0  }
0x16: {  	s3 =	sld [smem:$0x3FDB];
	s0 =	simm.s32 @p2 $0x1  }
0x17: {  	s4 =	simm.s32 $0x1BF5;
	[smem:$0x3FB3] =	sst s0  }
0x18: {  	s0 =	sld [smem:$0x3F96];
	_ =	swait.ge [sflag:s4], $0x0  }
0x19: {  	s7 =	sld [smem:$0x3F97]  }
0x1a: {  	s8 =	sadd.s32 $0xFFFFE003, lr  }
0x1b: {  	s9 =	sadd.s32 $0xFFFFFEF7, lr;
	s5 =	simm.s32 $0xFFFFFFFF;
	p2 =	slt.u32 s8, $0xFFFFF086  }
0x1c: {  	p1 =	slt.u32 s9, $0xF7A;
	s5 =	simm.s32 @!p2 $0x0  }
0x1d: {  	s5 =	simm.s32 @p1 $0x1;
	p0 =	seq.s32 s7, s2  }
0x1e: {  	s7 =	smul.u32 @!p0 $0xF7A, s2;
	p2 =	seq.s32 @!p0 s5, $0x0  }
0x1f: {  	s9 =	smul.u32 $0xF7A, s1;
	s8 =	simm.s32 @!p0 $0x1BF5;
	p2 =	por !p2, p0  }
0x20: {  	[sflag:s8] =	ssyncset.s32 @!p0 $0xFFFFF086;
	s6 =	sadd.s32 @!p0 s3, s7;
	s7 =	simm.s32 @!p0 $0x108  }
0x21: {  	s3 =	sadd.s32 s3, s9;
	s6 =	sadd.s32 @!p0 $0x88, s6;
	s7 =	simm.s32 @p2 $0x1082  }
0x22: {  	[simem:s7], [sflag:s8] =	dma.local @!p0 [hbm:s6], $0xF7A  }
0x23: {  	s9 =	sor.u32 $0xD0000000, s2;
	s6 =	simm.s32 $0x108;
	_ =	swait.ge @!p0 [sflag:s8], $0x0  }
0x24: {  	s3 =	sadd.s32 $0x88, s3;
	s6 =	simm.s32 @!p1 $0x1082;
	[sflag:s4] =	ssyncset.s32 $0xFFFFF086  }
0x25: {  	[simem:s6], [sflag:s4] =	dma.local [hbm:s3], $0xF7A  }
0x26: {  	[smem:$0x3F97] =	sst s1;
	(tag) =	ssettag s2;
	_ =	strace s9  }
0x27: {  	s1 =	sld [smem:$0x3FA7]  }
0x28: {  	s2 =	sld [smem:$0x3FA8]  }
0x29: {  	s4 =	sld [smem:$0x3FAA]  }
0x2a: {  	p0 =	seq.s32 s5, $0x0;
	s5 =	sld [smem:$0x3FAB]  }
0x2b: {  	s6 =	sld [smem:$0x3FAC]  }
0x2c: {  	s7 =	sld [smem:$0x3FAD]  }
0x2d: {  	s3 =	simm.s32 $0x108;
	s8 =	sld [smem:$0x3FAE]  }
0x2e: {  	s3 =	simm.s32 @!p0 $0x1082;
	s9 =	sld [smem:$0x3FAF]  }
0x2f: {  	lr =	sadd.s32 s0, s3;
	s0 =	sld [smem:$0x3FA6]  }
0x30: {  	s3 =	sld [smem:$0x3FA9]  }
0x31: {  	[smem:$0x3FB2] =	sst s10  }
0x32: {  	s10 =	sld [smem:$0x3FB0];
	_ =	sdelay $0x3  }
0x33: {  	p0 =	seq.s32 s10, $0x1;
	s10 =	sld [smem:$0x3FB2];
	_ =	sdelay $0x3  }
0x34: {  	[smem:$0x3FB2] =	sst s10  }
0x35: {  	s10 =	sld [smem:$0x3FB1];
	_ =	sdelay $0x3  }
0x36: {  	p1 =	seq.s32 s10, $0x1;
	s10 =	sld [smem:$0x3FB2];
	_ =	sdelay $0x3  }
0x37: {  	[smem:$0x3FB2] =	sst s10  }
0x38: {  	s10 =	sld [smem:$0x3FB3]  }
0x39: {  	_ = 	snop;
	(pc) =	sbr.ind lr, $3  }
0x3a: {  	_ = 	snop  }
0x3b: {  	_ = 	snop  }
0x3c: {  	p2 =	seq.s32 s10, $0x1;
	s10 =	sld [smem:$0x3FB2]  }
0x3d: {  	_ =	shalt  }
0x3e: {  	_ =	shalt  }
0x3f: {  	_ =	shalt  }
0x40: {  	_ =	shalt  }
0x41: {  	_ =	shalt  }
0x42: {  	_ =	shalt  }
0x43: {  	_ =	shalt  }
0x44: {  	_ =	shalt  }
0x45: {  	_ =	shalt  }
0x46: {  	_ =	shalt  }
0x47: {  	_ =	shalt  }
0x48: {  	_ =	shalt  }
0x49: {  	_ =	shalt  }
0x4a: {  	_ =	shalt  }
0x4b: {  	_ =	shalt  }
0x4c: {  	_ =	shalt  }
0x4d: {  	_ =	shalt  }
0x4e: {  	_ =	shalt  }
0x4f: {  	_ =	shalt  }
0x50: {  	_ =	shalt  }
0x51: {  	_ =	shalt  }
0x52: {  	_ =	shalt  }
0x53: {  	_ =	shalt  }
0x54: {  	_ =	shalt  }
0x55: {  	_ =	shalt  }
0x56: {  	_ =	shalt  }
0x57: {  	_ =	shalt  }
0x58: {  	_ =	shalt  }
0x59: {  	_ =	shalt  }
0x5a: {  	_ =	shalt  }
0x5b: {  	_ =	shalt  }
0x5c: {  	_ =	shalt  }
0x5d: {  	_ =	shalt  }
0x5e: {  	_ =	shalt  }
0x5f: {  	_ =	shalt  }
0x60: {  	_ =	shalt  }
0x61: {  	_ =	shalt  }
0x62: {  	_ =	shalt  }
0x63: {  	_ =	shalt  }
0x64: {  	_ =	shalt  }
0x65: {  	_ =	shalt  }
0x66: {  	_ =	shalt  }
0x67: {  	_ =	shalt  }
0x68: {  	_ =	shalt  }
0x69: {  	_ =	shalt  }
0x6a: {  	_ =	shalt  }
0x6b: {  	_ =	shalt  }
0x6c: {  	_ =	shalt  }
0x6d: {  	_ =	shalt  }
0x6e: {  	_ =	shalt  }
0x6f: {  	_ =	shalt  }
0x70: {  	_ =	shalt  }
0x71: {  	_ =	shalt  }
0x72: {  	_ =	shalt  }
0x73: {  	_ =	shalt  }
0x74: {  	_ =	shalt  }
0x75: {  	_ =	shalt  }
0x76: {  	_ =	shalt  }
0x77: {  	_ =	shalt  }
0x78: {  	_ =	shalt  }
0x79: {  	_ =	shalt  }
0x7a: {  	_ =	shalt  }
0x7b: {  	_ =	shalt  }
0x7c: {  	_ =	shalt  }
0x7d: {  	_ =	shalt  }
0x7e: {  	_ =	shalt  }
0x7f: {  	_ =	shalt  }
0x80: {  	_ =	shalt  }
0x81: {  	_ =	shalt  }
0x82: {  	_ =	shalt  }
0x83: {  	_ =	shalt  }
0x84: {  	_ =	shalt  }
0x85: {  	_ =	shalt  }
0x86: {  	_ =	shalt  }
0x87: {  	_ =	shalt  }
.Lfunc_end0:
.L_simem_size_0:
called_computation_lowered:
.L_overlay_start_0:
0x88: {  	s2 =	sld [smem:$0x3FD9]  }
0x89: {  	s3 =	sld [smem:$0x3FFE];
	_ =	sdelay $0x1  }
0x8a: {  	s1 =	srdreg.scid  }
0x8b: {  	s0 =	sand.u32 $0x1, s1  }
0x8c: {  	s17 =	sshll.u32 s0, $0xA;
	s2 =	sadd.s32 s3, s2  }
0x8d: {  	s2 =	sadd.s32 s2, s17  }
0x8e: {  	[smem:$0x3FBE] =	sst s2  }
0x8f: {  	_ = 	snop  }
0x90: {  	s2 =	sld [smem:$0x3FC9]  }
0x91: {  	s18 =	sld [smem:$0x3FC8];
	(tm) =	ssettm $0x1  }
0x92: {  	s4 =	sld [smem:$0x3FFB];
	_ =	sdelay $0x3  }
0x93: {  	_ =	strace s4  }
0x94: {  	s4 =	sld [smem:$0x3FFC];
	_ =	sdelay $0x3  }
0x95: {  	_ =	strace s4  }
0x96: {  	s4 =	sld [smem:$0x3FFD];
	_ =	sdelay $0x3  }
0x97: {  	_ =	strace s4  }
0x98: {  	_ =	strace $0x8FFFFFFF  }
0x99: {  	s19 =	sld [smem:$0x3FDB];
	_ =	sdelay $0x1  }
0x9a: {  	s5 =	simm.s32 $_scs_section_size  }
0x9b: {  	s6 =	simm.s32 $_size__tile_overlayer_lowered;
	s7 =	simm.s32 $_tile_overlayer_lowered  }
0x9c: {  	s22 =	simm.s32 $0x1BFF;
	s21 =	sshll.u32 s7, $0x1;
	s4 =	sadd.s32 s5, s19  }
0x9d: {  	s8 =	simm.s32 $0x0;
	s20 =	sshll.u32 s6, $0x1;
	s6 =	sadd.s32 s21, s4  }
0x9e: {  	[timem:s8], [sflag:s22] =	dma.local [hbm:s6], s20  }
0x9f: {  	_ =	swait.ge [sflag:s22], s20  }
0xa0: {  	s5 =	ssub.s32 $0x0, s20;
	[sflag:s22] =	ssyncset.done $0x0  }
0xa1: {  	[sflag:s22] =	ssyncadd.s32 s5;
	_ =	sdelay $0x1  }
0xa2: {  	s23 =	simm.s32 $0x1B8B  }
0xa3: {  	_ =	swait.ge [sflag:s23], $0x1  }
0xa4: {  	[sflag:s23] =	ssyncset.done $0x0  }
0xa5: {  	s25 =	simm.s32 $0x1B8E;
	s24 =	sld [smem:$0x3FFE];
	[sflag:s23] =	ssyncadd.s32 $0xFFFFFFFF  }
0xa6: {  	s26 =	simm.s32 $execute0_lowered;
	[smem:$0x3FD2] =	sst s25  }
0xa7: {  	s6 =	sshll.u32 s26, $0x1;
	_ =	strace $0x80000046;
	[dreg:$0x1] =	wrdreg $0xFFFFFFFF  }
0xa8: {  	s28 =	simm.s32 $_size_execute0_lowered;
	s4 =	sadd.s32 s4, s6;
	[dreg:$0x0] =	wrdreg $0x0  }
0xa9: {  	s6 =	sshll.u32 s28, $0x1;
	[dreg:$0x2] =	wrdreg s4  }
0xaa: {  	[dreg:$0x3] =	wrdreg s6  }
0xab: {  	[dreg:$0x4] =	wrdreg $0xC0  }
0xac: {  	_ =	task [dreg:s8], $0x5FFFF  }
0xad: {  	[dreg:$0x1] =	wrdreg $0xFFFFFFFF  }
0xae: {  	[dreg:$0x0] =	wrdreg $0x60  }
0xaf: {  	[dreg:$0x2] =	wrdreg s2  }
0xb0: {  	[dreg:$0x3] =	wrdreg s18  }
0xb1: {  	[dreg:$0x4] =	wrdreg s24  }
0xb2: {  	[dreg:$0x5] =	wrdreg $0x9  }
0xb3: {  	_ =	task.clear_ibuf [dreg:s8], $0x6FFFF;
	_ =	strace $0x90000046  }
0xb4: {  	s29 =	simm.s32 $0x9;
	_ =	strace $0x80000048  }
0xb5: {  	_ =	swait.ge [sflag:s29], $0x1  }
0xb6: {  	[sflag:s29] =	ssyncadd.s32 $0xFFFFFFFF  }
0xb7: {  	_ =	strace $0x90000048  }
0xb8: {  	_ =	sfence  }
0xb9: {  	s30 =	sld [smem:$0x0];
	_ =	sdelay $0x2  }
0xba: {  	s31 =	sshll.u32 s1, $0xD;
	s1 =	sshrl.u32 s1, $0x2  }
0xbb: {  	s3 =	sand.u32 $0x4000, s31;
	s1 =	sadd.s32 s1, s30  }
0xbc: {  	s0 =	sor.u32 s3, s0;
	s1 =	sshll.u32 s1, $0x11  }
0xbd: {  	s0 =	sor.u32 s1, s0  }
0xbe: {  	s0 =	sadd.s32 $0x8F2B, s0  }
0xbf: {  	[sflag:s0] =	ssyncadd.remote.s32 $0x1  }
0xc0: {  	_ =	sfence.sel $0xFFFF  }
0xc1: {  	[dreg:$0x0] =	wrdreg $0xFFFFFFFF;
	(pc) =	sbr.abs _section_cstart, $3  }
0xc2: {  	[dreg:$0x1] =	wrdreg $0xFFFFFFFF  }
0xc3: {  	_ =	task.clear_ibuf [dreg:s8], $0x2FFFF;
	_ =	strace $0x9FFFFFFF  }
0xc4: {  	(tm) =	ssettm $0x7FFFFFFF  }
0xc5: {  	_ =	shalt  }
tec
execute0_lowered:
.L_overlay_start_1:
0x0: {  	(tag) =	ssettag $0x1  }
0x1: {  	s5 =	rddreg [dreg:$0x0]  }
0x2: {  	s6 =	rddreg [dreg:$0x1]  }
0x3: {  	s7 =	rddreg [dreg:$0x2]  }
0x4: {  	s0 =	rddreg [dreg:$0x3]  }
0x5: {  	s1 =	simm.s32 $0x0;
	s8 =	srdreg.scid;
	s2 =	stileid.u32  }
0x6: {  	s14 =	simm.s32 $0x1;
	s15 =	simm.s32 $0x400;
	s16 =	simm.s32 $0x2  }
0x7: {  	s17 =	simm.s32 $0x8400;
	s18 =	simm.s32 $0x0;
	[smem:$0x7FF] =	sst s1  }
0x8: {  	s3 =	sadd.s32 $0x1A00, s7;
	s4 =	sadd.s32 $0xF43E00, s7;
	s8 =	sand.u32 $0x1, s8  }
0x9: {  	s11 =	sshll.u32 s2, $0xA;
	s10 =	ssub.s32 $0x2, s8;
	s8 =	sshll.u32 s8, $0x9  }
0xa: {  	s9 =	sadd.s32 $0x10CA800, s7;
	s12 =	sadd.s32 $0x110A800, s7;
	s8 =	sor.u32 s8, s11  }
0xb: {  	_ =	strace $0x80000047;
	s28 =	sshrl.u32 s10, $0x1;
	s30 =	sshrl.u32 s8, $0x3  }
0xc: {  	s29 =	ssub.s32 s10, s28;
	s31 =	sshll.u32 s8, $0x4;
	s5 =	sadd.s32 s5, s30  }
0xd: {  	s6 =	sadd.s32 s6, s30;
	s13 =	sor.u32 $0x1000, s31;
	s7 =	sadd.s32 s9, s31  }
0xe: {  	s11 =	smax.u32 s29, $0x1;
	s8 =	sadd.s32 s9, s13;
	s9 =	sadd.s32 s12, s31  }
0xf: {  	s10 =	sadd.s32 s12, s13;
	s12 =	simm.s32 $0x3;
	s13 =	simm.s32 $0x200  }
.LBB2_1:
0x10: {  	[tilespmem:s1], [sflag:$0x3] =	stream.linear.gather [hbm4b:s5+s1], $0x200, $0x38;
	[tilespmem:$0x10400] =	vst v63  }
0x11: {  	_ =	swait.ge [sflag:s12], $0x200  }
0x12: {  	[sflag:s12] =	ssyncset.done $0x0  }
0x13: {  	[sflag:s12] =	ssyncadd.s32 $0xFFFFFE00  }
0x14: {  	[tilespmem:s13], [sflag:$0x3] =	stream.linear.gather [hbm4b:s6+s1], $0x200, $0x38;
	[tilespmem:$0x10400] =	vst v63  }
0x15: {  	_ =	swait.ge [sflag:s12], $0x200  }
0x16: {  	[sflag:s12] =	ssyncset.done $0x0  }
0x17: {  	s20 =	simm.s32 $0x0;
	s22 =	simm.s32 $0x0;
	[sflag:s12] =	ssyncadd.s32 $0xFFFFFE00  }
.LBB2_2:
0x18: {  	v0 =	vld [tilespmem:s20+$0x0];
	_ =	sdelay $0x4  }
0x19: {  	v1 =	vshrl.u32 v0, $0x3  }
0x1a: {  	v0 =	vand.u32 $0x7, v0;
	v1 =	vshll.u32 v1, $0xA  }
0x1b: {  	v0 =	vshll.u32 v0, $0x7;
	(v2sf) =	vpush v1, $0x0  }
0x1c: {  	(v2sf) =	vpush v0, $0x0;
	_ =	sdelay $0x2  }
0x1d: {  	(v2sf) =	vpush v1, $0x1  }
0x1e: {  	(v2sf) =	vpush v0, $0x1;
	_ =	sdelay $0x1  }
0x1f: {  	(v2sf) =	vpush v1, $0x2;
	_ =	sdelay $0x1  }
0x20: {  	(v2sf) =	vpush v0, $0x2;
	_ =	sdelay $0x5  }
0x21: {  	s19 =	spop (v2sf);
	(v2sf) =	vpush v1, $0x3  }
0x22: {  	s21 =	spop (v2sf);
	(v2sf) =	vpush v0, $0x3;
	_ =	sdelay $0x2  }
0x23: {  	s30 =	spop (v2sf);
	(v2sf) =	vpush v1, $0x4  }
0x24: {  	s31 =	spop (v2sf);
	(v2sf) =	vpush v0, $0x4;
	_ =	sdelay $0x1  }
0x25: {  	s26 =	spop (v2sf);
	(v2sf) =	vpush v1, $0x5;
	_ =	sdelay $0x1  }
0x26: {  	s28 =	spop (v2sf);
	(v2sf) =	vpush v0, $0x5  }
0x27: {  	s19 =	sor.u32 s21, s19  }
0x28: {  	s21 =	sshra.s32 s22, $0x2;
	s19 =	sshrl.u32 s19, $0x3  }
0x29: {  	s23 =	sadd.s32 $0x400, s21;
	s24 =	sadd.s32 s3, s19;
	s19 =	simm.s32 $0x0  }
0x2a: {  	[tilespmem:s23], [sflag:$0x1] =	stream.linear.gather [hbm4b:s24+s19], $0x80, $0x38;
	[tilespmem:$0x10400] =	vst v63  }
0x2b: {  	s23 =	sor.u32 s31, s30  }
0x2c: {  	s23 =	sshrl.u32 s23, $0x3;
	s30 =	spop (v2sf);
	(v2sf) =	vpush v1, $0x6  }
0x2d: {  	s25 =	sadd.s32 $0x480, s21;
	s23 =	sadd.s32 s3, s23;
	s31 =	spop (v2sf);
	(v2sf) =	vpush v0, $0x6  }
0x2e: {  	[tilespmem:s25], [sflag:$0x1] =	stream.linear.gather [hbm4b:s23+s19], $0x80, $0x38;
	[tilespmem:$0x10400] =	vst v63  }
0x2f: {  	s23 =	sor.u32 s28, s26  }
0x30: {  	s23 =	sshrl.u32 s23, $0x3;
	s26 =	spop (v2sf);
	(v2sf) =	vpush v1, $0x7  }
0x31: {  	s29 =	sadd.s32 $0x500, s21;
	s23 =	sadd.s32 s3, s23;
	s28 =	spop (v2sf);
	(v2sf) =	vpush v0, $0x7  }
0x32: {  	[tilespmem:s29], [sflag:$0x1] =	stream.linear.gather [hbm4b:s23+s19], $0x80, $0x38;
	[tilespmem:$0x10400] =	vst v63  }
0x33: {  	s23 =	sor.u32 s31, s30;
	s30 =	spop (v2sf);
	(v2sf) =	vpush v1, $0x8;
	_ =	sdelay $0x1  }
0x34: {  	s31 =	spop (v2sf);
	(v2sf) =	vpush v0, $0x8;
	_ =	sdelay $0x1  }
0x35: {  	s23 =	sshrl.u32 s23, $0x3  }
0x36: {  	s25 =	sadd.s32 $0x580, s21;
	s23 =	sadd.s32 s3, s23  }
0x37: {  	[tilespmem:s25], [sflag:$0x1] =	stream.linear.gather [hbm4b:s23+s19], $0x80, $0x38;
	[tilespmem:$0x10400] =	vst v63  }
0x38: {  	s23 =	sor.u32 s28, s26  }
0x39: {  	s23 =	sshrl.u32 s23, $0x3;
	s26 =	spop (v2sf);
	(v2sf) =	vpush v1, $0x9  }
0x3a: {  	s29 =	sadd.s32 $0x600, s21;
	s23 =	sadd.s32 s3, s23;
	s28 =	spop (v2sf);
	(v2sf) =	vpush v0, $0x9  }
0x3b: {  	[tilespmem:s29], [sflag:$0x1] =	stream.linear.gather [hbm4b:s23+s19], $0x80, $0x38;
	[tilespmem:$0x10400] =	vst v63  }
0x3c: {  	s23 =	sor.u32 s31, s30  }
0x3d: {  	s23 =	sshrl.u32 s23, $0x3;
	s30 =	spop (v2sf);
	(v2sf) =	vpush v1, $0xA  }
0x3e: {  	s25 =	sadd.s32 $0x680, s21;
	s23 =	sadd.s32 s3, s23;
	s31 =	spop (v2sf);
	(v2sf) =	vpush v0, $0xA  }
0x3f: {  	[tilespmem:s25], [sflag:$0x1] =	stream.linear.gather [hbm4b:s23+s19], $0x80, $0x38;
	[tilespmem:$0x10400] =	vst v63  }
0x40: {  	s23 =	sor.u32 s28, s26;
	s26 =	spop (v2sf);
	(v2sf) =	vpush v1, $0xB  }
0x41: {  	s23 =	sshrl.u32 s23, $0x3  }
0x42: {  	s29 =	sadd.s32 $0x700, s21;
	s23 =	sadd.s32 s3, s23;
	s28 =	spop (v2sf);
	(v2sf) =	vpush v0, $0xB  }
0x43: {  	[tilespmem:s29], [sflag:$0x1] =	stream.linear.gather [hbm4b:s23+s19], $0x80, $0x38;
	[tilespmem:$0x10400] =	vst v63  }
0x44: {  	s23 =	sor.u32 s31, s30  }
0x45: {  	s23 =	sshrl.u32 s23, $0x3  }
0x46: {  	s25 =	sadd.s32 $0x780, s21;
	s23 =	sadd.s32 s3, s23  }
0x47: {  	[tilespmem:s25], [sflag:$0x1] =	stream.linear.gather [hbm4b:s23+s19], $0x80, $0x38;
	[tilespmem:$0x10400] =	vst v63  }
0x48: {  	s23 =	sor.u32 s28, s26;
	s30 =	spop (v2sf);
	(v2sf) =	vpush v1, $0xC  }
0x49: {  	s23 =	sshrl.u32 s23, $0x3;
	s31 =	spop (v2sf);
	(v2sf) =	vpush v0, $0xC  }
0x4a: {  	s29 =	sadd.s32 $0x800, s21;
	s23 =	sadd.s32 s3, s23  }
0x4b: {  	[tilespmem:s29], [sflag:$0x1] =	stream.linear.gather [hbm4b:s23+s19], $0x80, $0x38;
	[tilespmem:$0x10400] =	vst v63  }
0x4c: {  	s26 =	spop (v2sf);
	(v2sf) =	vpush v1, $0xD  }
0x4d: {  	s23 =	sor.u32 s31, s30;
	s28 =	spop (v2sf);
	(v2sf) =	vpush v0, $0xD  }
0x4e: {  	s23 =	sshrl.u32 s23, $0x3  }
0x4f: {  	s25 =	sadd.s32 $0x880, s21;
	s23 =	sadd.s32 s3, s23;
	s30 =	spop (v2sf)  }
0x50: {  	(v2sf) =	vpush v1, $0xE;
	[tilespmem:s25], [sflag:$0x1] =	stream.linear.gather [hbm4b:s23+s19], $0x80, $0x38;
	[tilespmem:$0x10400] =	vst v63  }
0x51: {  	s31 =	spop (v2sf);
	(v2sf) =	vpush v0, $0xE  }
0x52: {  	s23 =	sor.u32 s28, s26  }
0x53: {  	s23 =	sshrl.u32 s23, $0x3  }
0x54: {  	s29 =	sadd.s32 $0x900, s21;
	s23 =	sadd.s32 s3, s23  }
0x55: {  	[tilespmem:s29], [sflag:$0x1] =	stream.linear.gather [hbm4b:s23+s19], $0x80, $0x38;
	[tilespmem:$0x10400] =	vst v63  }
0x56: {  	s23 =	sor.u32 s31, s30  }
0x57: {  	s23 =	sshrl.u32 s23, $0x3;
	s26 =	spop (v2sf);
	(v2sf) =	vpush v1, $0xF  }
0x58: {  	s25 =	sadd.s32 $0x980, s21;
	s23 =	sadd.s32 s3, s23;
	s28 =	spop (v2sf);
	(v2sf) =	vpush v0, $0xF  }
0x59: {  	[tilespmem:s25], [sflag:$0x1] =	stream.linear.gather [hbm4b:s23+s19], $0x80, $0x38;
	[tilespmem:$0x10400] =	vst v63  }
0x5a: {  	s23 =	sor.u32 s28, s26  }
0x5b: {  	s30 =	spop (v2sf);
	s23 =	sshrl.u32 s23, $0x3  }
0x5c: {  	s29 =	sadd.s32 $0xA00, s21;
	s31 =	spop (v2sf);
	s23 =	sadd.s32 s3, s23  }
0x5d: {  	[tilespmem:s29], [sflag:$0x1] =	stream.linear.gather [hbm4b:s23+s19], $0x80, $0x38;
	[tilespmem:$0x10400] =	vst v63  }
0x5e: {  	s23 =	sor.u32 s31, s30  }
0x5f: {  	s26 =	spop (v2sf);
	s23 =	sshrl.u32 s23, $0x3  }
0x60: {  	s25 =	sadd.s32 $0xA80, s21;
	s28 =	spop (v2sf);
	s23 =	sadd.s32 s3, s23  }
0x61: {  	[tilespmem:s25], [sflag:$0x1] =	stream.linear.gather [hbm4b:s23+s19], $0x80, $0x38;
	[tilespmem:$0x10400] =	vst v63  }
0x62: {  	s23 =	sor.u32 s28, s26  }
0x63: {  	s23 =	sshrl.u32 s23, $0x3  }
0x64: {  	s29 =	sadd.s32 $0xB00, s21;
	s23 =	sadd.s32 s3, s23  }
0x65: {  	[tilespmem:s29], [sflag:$0x1] =	stream.linear.gather [hbm4b:s23+s19], $0x80, $0x38;
	[tilespmem:$0x10400] =	vst v63  }
0x66: {  	s30 =	spop (v2sf)  }
0x67: {  	p0 =	sne.s32 s22, $0x1E000;
	s31 =	spop (v2sf)  }
.Ltmp0:
0x68: {  	s23 =	sor.u32 s31, s30;
	(pc) =	sbr.rel @p0 .LBB2_2-.Ltmp0, $4  }
0x69: {  	s23 =	sshrl.u32 s23, $0x3  }
0x6a: {  	s21 =	sadd.s32 $0xB80, s21;
	s23 =	sadd.s32 s3, s23  }
0x6b: {  	[tilespmem:s21], [sflag:$0x1] =	stream.linear.gather [hbm4b:s23+s19], $0x80, $0x38;
	[tilespmem:$0x10400] =	vst v63  }
0x6c: {  	s20 =	sadd.s32 $0x10, s20;
	s22 =	sadd.s32 $0x2000, s22;
	s21 =	simm.s32 $0x0  }
.LBB2_3:
0x6d: {  	s20 =	sand.u32 $0xF0, s19  }
0x6e: {  	v0 =	vld [tilespmem:s20+$0x100];
	_ =	sdelay $0x4  }
0x6f: {  	v1 =	vshrl.u32 v0, $0x3  }
0x70: {  	v0 =	vand.u32 $0x7, v0;
	v1 =	vshll.u32 v1, $0xA  }
0x71: {  	v0 =	vshll.u32 v0, $0x7;
	(v2sf) =	vpush v1, $0x0  }
0x72: {  	(v2sf) =	vpush v0, $0x0;
	_ =	sdelay $0x2  }
0x73: {  	(v2sf) =	vpush v1, $0x1  }
0x74: {  	(v2sf) =	vpush v0, $0x1;
	_ =	sdelay $0x1  }
0x75: {  	(v2sf) =	vpush v1, $0x2;
	_ =	sdelay $0x1  }
0x76: {  	(v2sf) =	vpush v0, $0x2;
	_ =	sdelay $0x5  }
0x77: {  	s24 =	spop (v2sf);
	(v2sf) =	vpush v1, $0x3  }
0x78: {  	s22 =	spop (v2sf);
	(v2sf) =	vpush v0, $0x3;
	_ =	sdelay $0x2  }
0x79: {  	s25 =	spop (v2sf);
	(v2sf) =	vpush v1, $0x4  }
0x7a: {  	s26 =	spop (v2sf);
	(v2sf) =	vpush v0, $0x4;
	_ =	sdelay $0x1  }
0x7b: {  	s29 =	spop (v2sf);
	(v2sf) =	vpush v1, $0x5;
	_ =	sdelay $0x1  }
0x7c: {  	s30 =	spop (v2sf);
	(v2sf) =	vpush v0, $0x5;
	_ =	sdelay $0x1  }
0x7d: {  	s22 =	sor.u32 s22, s24  }
0x7e: {  	s20 =	sshra.s32 s21, $0x2;
	s22 =	sshrl.u32 s22, $0x3  }
0x7f: {  	s23 =	sadd.s32 $0x8400, s20;
	s22 =	sadd.s32 s3, s22  }
0x80: {  	[tilespmem:s23], [sflag:$0x2] =	stream.linear.gather [hbm4b:s22+s1], $0x80, $0x38;
	[tilespmem:$0x10400] =	vst v63  }
0x81: {  	s22 =	sor.u32 s26, s25;
	s23 =	spop (v2sf);
	(v2sf) =	vpush v1, $0x6  }
0x82: {  	s22 =	sshrl.u32 s22, $0x3;
	s24 =	spop (v2sf);
	(v2sf) =	vpush v0, $0x6  }
0x83: {  	s28 =	sadd.s32 $0x8480, s20;
	s22 =	sadd.s32 s3, s22  }
0x84: {  	[tilespmem:s28], [sflag:$0x2] =	stream.linear.gather [hbm4b:s22+s1], $0x80, $0x38;
	[tilespmem:$0x10400] =	vst v63  }
0x85: {  	s26 =	spop (v2sf);
	(v2sf) =	vpush v1, $0x7  }
0x86: {  	s22 =	sor.u32 s30, s29;
	s28 =	spop (v2sf);
	(v2sf) =	vpush v0, $0x7  }
0x87: {  	s22 =	sshrl.u32 s22, $0x3  }
0x88: {  	s31 =	sadd.s32 $0x8500, s20;
	s22 =	sadd.s32 s3, s22;
	s30 =	spop (v2sf);
	(v2sf) =	vpush v1, $0x8  }
0x89: {  	[tilespmem:s31], [sflag:$0x2] =	stream.linear.gather [hbm4b:s22+s1], $0x80, $0x38;
	[tilespmem:$0x10400] =	vst v63  }
0x8a: {  	s31 =	spop (v2sf);
	(v2sf) =	vpush v0, $0x8  }
0x8b: {  	s22 =	sor.u32 s24, s23  }
0x8c: {  	s22 =	sshrl.u32 s22, $0x3  }
0x8d: {  	s25 =	sadd.s32 $0x8580, s20;
	s22 =	sadd.s32 s3, s22  }
0x8e: {  	[tilespmem:s25], [sflag:$0x2] =	stream.linear.gather [hbm4b:s22+s1], $0x80, $0x38;
	[tilespmem:$0x10400] =	vst v63  }
0x8f: {  	s22 =	sor.u32 s28, s26  }
0x90: {  	s22 =	sshrl.u32 s22, $0x3;
	s25 =	spop (v2sf);
	(v2sf) =	vpush v1, $0x9  }
0x91: {  	s29 =	sadd.s32 $0x8600, s20;
	s22 =	sadd.s32 s3, s22;
	s26 =	spop (v2sf);
	(v2sf) =	vpush v0, $0x9  }
0x92: {  	[tilespmem:s29], [sflag:$0x2] =	stream.linear.gather [hbm4b:s22+s1], $0x80, $0x38;
	[tilespmem:$0x10400] =	vst v63  }
0x93: {  	s22 =	sor.u32 s31, s30  }
0x94: {  	s22 =	sshrl.u32 s22, $0x3;
	s29 =	spop (v2sf);
	(v2sf) =	vpush v1, $0xA  }
0x95: {  	s24 =	sadd.s32 $0x8680, s20;
	s22 =	sadd.s32 s3, s22;
	s30 =	spop (v2sf);
	(v2sf) =	vpush v0, $0xA  }
0x96: {  	[tilespmem:s24], [sflag:$0x2] =	stream.linear.gather [hbm4b:s22+s1], $0x80, $0x38;
	[tilespmem:$0x10400] =	vst v63  }
0x97: {  	s22 =	sor.u32 s26, s25;
	s23 =	spop (v2sf);
	(v2sf) =	vpush v1, $0xB  }
0x98: {  	s22 =	sshrl.u32 s22, $0x3  }
0x99: {  	s28 =	sadd.s32 $0x8700, s20;
	s22 =	sadd.s32 s3, s22;
	s24 =	spop (v2sf);
	(v2sf) =	vpush v0, $0xB  }
0x9a: {  	[tilespmem:s28], [sflag:$0x2] =	stream.linear.gather [hbm4b:s22+s1], $0x80, $0x38;
	[tilespmem:$0x10400] =	vst v63  }
0x9b: {  	s22 =	sor.u32 s30, s29  }
0x9c: {  	s22 =	sshrl.u32 s22, $0x3  }
0x9d: {  	s31 =	sadd.s32 $0x8780, s20;
	s22 =	sadd.s32 s3, s22  }
0x9e: {  	[tilespmem:s31], [sflag:$0x2] =	stream.linear.gather [hbm4b:s22+s1], $0x80, $0x38;
	[tilespmem:$0x10400] =	vst v63  }
0x9f: {  	s22 =	sor.u32 s24, s23;
	s26 =	spop (v2sf);
	(v2sf) =	vpush v1, $0xC  }
0xa0: {  	s22 =	sshrl.u32 s22, $0x3;
	s28 =	spop (v2sf);
	(v2sf) =	vpush v0, $0xC  }
0xa1: {  	s25 =	sadd.s32 $0x8800, s20;
	s22 =	sadd.s32 s3, s22  }
0xa2: {  	[tilespmem:s25], [sflag:$0x2] =	stream.linear.gather [hbm4b:s22+s1], $0x80, $0x38;
	[tilespmem:$0x10400] =	vst v63  }
0xa3: {  	s30 =	spop (v2sf);
	(v2sf) =	vpush v1, $0xD  }
0xa4: {  	s22 =	sor.u32 s28, s26;
	s31 =	spop (v2sf);
	(v2sf) =	vpush v0, $0xD  }
0xa5: {  	s22 =	sshrl.u32 s22, $0x3  }
0xa6: {  	s29 =	sadd.s32 $0x8880, s20;
	s22 =	sadd.s32 s3, s22;
	s25 =	spop (v2sf)  }
0xa7: {  	(v2sf) =	vpush v1, $0xE;
	[tilespmem:s29], [sflag:$0x2] =	stream.linear.gather [hbm4b:s22+s1], $0x80, $0x38;
	[tilespmem:$0x10400] =	vst v63  }
0xa8: {  	s26 =	spop (v2sf);
	(v2sf) =	vpush v0, $0xE  }
0xa9: {  	s22 =	sor.u32 s31, s30  }
0xaa: {  	s22 =	sshrl.u32 s22, $0x3  }
0xab: {  	s24 =	sadd.s32 $0x8900, s20;
	s22 =	sadd.s32 s3, s22  }
0xac: {  	[tilespmem:s24], [sflag:$0x2] =	stream.linear.gather [hbm4b:s22+s1], $0x80, $0x38;
	[tilespmem:$0x10400] =	vst v63  }
0xad: {  	s22 =	sor.u32 s26, s25  }
0xae: {  	s22 =	sshrl.u32 s22, $0x3;
	s29 =	spop (v2sf);
	(v2sf) =	vpush v1, $0xF  }
0xaf: {  	s28 =	sadd.s32 $0x8980, s20;
	s22 =	sadd.s32 s3, s22;
	s30 =	spop (v2sf);
	(v2sf) =	vpush v0, $0xF  }
0xb0: {  	[tilespmem:s28], [sflag:$0x2] =	stream.linear.gather [hbm4b:s22+s1], $0x80, $0x38;
	[tilespmem:$0x10400] =	vst v63  }
0xb1: {  	s22 =	sor.u32 s30, s29  }
0xb2: {  	s23 =	spop (v2sf);
	s22 =	sshrl.u32 s22, $0x3  }
0xb3: {  	s31 =	sadd.s32 $0x8A00, s20;
	s24 =	spop (v2sf);
	s22 =	sadd.s32 s3, s22  }
0xb4: {  	[tilespmem:s31], [sflag:$0x2] =	stream.linear.gather [hbm4b:s22+s1], $0x80, $0x38;
	[tilespmem:$0x10400] =	vst v63  }
0xb5: {  	s22 =	sor.u32 s24, s23  }
0xb6: {  	s26 =	spop (v2sf);
	s22 =	sshrl.u32 s22, $0x3  }
0xb7: {  	s25 =	sadd.s32 $0x8A80, s20;
	s28 =	spop (v2sf);
	s22 =	sadd.s32 s3, s22  }
0xb8: {  	[tilespmem:s25], [sflag:$0x2] =	stream.linear.gather [hbm4b:s22+s1], $0x80, $0x38;
	[tilespmem:$0x10400] =	vst v63  }
0xb9: {  	s22 =	sor.u32 s28, s26  }
0xba: {  	s22 =	sshrl.u32 s22, $0x3  }
0xbb: {  	s29 =	sadd.s32 $0x8B00, s20;
	s22 =	sadd.s32 s3, s22  }
0xbc: {  	[tilespmem:s29], [sflag:$0x2] =	stream.linear.gather [hbm4b:s22+s1], $0x80, $0x38;
	[tilespmem:$0x10400] =	vst v63  }
0xbd: {  	p0 =	sne.s32 s21, $0x1E000;
	s30 =	spop (v2sf)  }
.Ltmp1:
0xbe: {  	s31 =	spop (v2sf);
	(pc) =	sbr.rel @p0 .LBB2_3-.Ltmp1, $4  }
0xbf: {  	s22 =	sor.u32 s31, s30  }
0xc0: {  	s19 =	sadd.s32 $0x10, s19;
	s22 =	sshrl.u32 s22, $0x3  }
0xc1: {  	s21 =	sadd.s32 $0x2000, s21;
	s20 =	sadd.s32 $0x8B80, s20;
	s22 =	sadd.s32 s3, s22  }
0xc2: {  	[tilespmem:s20], [sflag:$0x2] =	stream.linear.gather [hbm4b:s22+s1], $0x80, $0x38;
	[tilespmem:$0x10400] =	vst v63  }
0xc3: {  	_ =	swait.ge [sflag:s14], $0x8000  }
0xc4: {  	[sflag:s14] =	ssyncset.done $0x0  }
0xc5: {  	s19 =	simm.s32 $0x0;
	[sflag:s14] =	ssyncadd.s32 $0xFFFF8000  }
0xc6: {  	[hbm4b:s7+s19] =	stream.linear.scatter [tilespmem:s15], [sflag:$0x3], $0x8000, $0x38;
	[tilespmem:$0x10400] =	vst v63  }
0xc7: {  	_ =	swait.ge [sflag:s12], $0x8000  }
0xc8: {  	[sflag:s12] =	ssyncset.done $0x0  }
0xc9: {  	[sflag:s12] =	ssyncadd.s32 $0xFFFF8000  }
0xca: {  	_ =	swait.ge [sflag:s16], $0x8000  }
0xcb: {  	[sflag:s16] =	ssyncset.done $0x0  }
0xcc: {  	[sflag:s16] =	ssyncadd.s32 $0xFFFF8000  }
0xcd: {  	[hbm4b:s8+s19] =	stream.linear.scatter [tilespmem:s17], [sflag:$0x3], $0x8000, $0x38;
	[tilespmem:$0x10400] =	vst v63  }
0xce: {  	_ =	swait.ge [sflag:s12], $0x8000  }
0xcf: {  	[sflag:s12] =	ssyncset.done $0x0  }
0xd0: {  	s20 =	simm.s32 $0x200;
	s21 =	simm.s32 $0x0;
	[sflag:s12] =	ssyncadd.s32 $0xFFFF8000  }
.LBB2_5:
0xd1: {  	v0 =	vld [tilespmem:s20+$0x0];
	_ =	sdelay $0x4  }
0xd2: {  	v1 =	vshrl.u32 v0, $0x3  }
0xd3: {  	v0 =	vand.u32 $0x7, v0;
	v1 =	vshll.u32 v1, $0xA  }
0xd4: {  	v0 =	vshll.u32 v0, $0x7;
	(v2sf) =	vpush v1, $0x0  }
0xd5: {  	(v2sf) =	vpush v0, $0x0;
	_ =	sdelay $0x2  }
0xd6: {  	(v2sf) =	vpush v1, $0x1  }
0xd7: {  	(v2sf) =	vpush v0, $0x1;
	_ =	sdelay $0x1  }
0xd8: {  	(v2sf) =	vpush v1, $0x2;
	_ =	sdelay $0x1  }
0xd9: {  	(v2sf) =	vpush v0, $0x2;
	_ =	sdelay $0x5  }
0xda: {  	s22 =	spop (v2sf);
	(v2sf) =	vpush v1, $0x3  }
0xdb: {  	s23 =	spop (v2sf);
	(v2sf) =	vpush v0, $0x3;
	_ =	sdelay $0x2  }
0xdc: {  	s30 =	spop (v2sf);
	(v2sf) =	vpush v1, $0x4  }
0xdd: {  	s31 =	spop (v2sf);
	(v2sf) =	vpush v0, $0x4;
	_ =	sdelay $0x1  }
0xde: {  	s26 =	spop (v2sf);
	(v2sf) =	vpush v1, $0x5;
	_ =	sdelay $0x1  }
0xdf: {  	s28 =	spop (v2sf);
	(v2sf) =	vpush v0, $0x5  }
0xe0: {  	s23 =	sor.u32 s23, s22  }
0xe1: {  	s22 =	sshra.s32 s21, $0x2;
	s23 =	sshrl.u32 s23, $0x3  }
0xe2: {  	s24 =	sadd.s32 $0x400, s22;
	s23 =	sadd.s32 s4, s23  }
0xe3: {  	[tilespmem:s24], [sflag:$0x1] =	stream.linear.gather [hbm4b:s23+s19], $0x80, $0x38;
	[tilespmem:$0x10400] =	vst v63  }
0xe4: {  	s23 =	sor.u32 s31, s30  }
0xe5: {  	s23 =	sshrl.u32 s23, $0x3;
	s30 =	spop (v2sf);
	(v2sf) =	vpush v1, $0x6  }
0xe6: {  	s25 =	sadd.s32 $0x480, s22;
	s23 =	sadd.s32 s4, s23;
	s31 =	spop (v2sf);
	(v2sf) =	vpush v0, $0x6  }
0xe7: {  	[tilespmem:s25], [sflag:$0x1] =	stream.linear.gather [hbm4b:s23+s19], $0x80, $0x38;
	[tilespmem:$0x10400] =	vst v63  }
0xe8: {  	s23 =	sor.u32 s28, s26  }
0xe9: {  	s23 =	sshrl.u32 s23, $0x3;
	s26 =	spop (v2sf);
	(v2sf) =	vpush v1, $0x7  }
0xea: {  	s29 =	sadd.s32 $0x500, s22;
	s23 =	sadd.s32 s4, s23;
	s28 =	spop (v2sf);
	(v2sf) =	vpush v0, $0x7  }
0xeb: {  	[tilespmem:s29], [sflag:$0x1] =	stream.linear.gather [hbm4b:s23+s19], $0x80, $0x38;
	[tilespmem:$0x10400] =	vst v63  }
0xec: {  	s23 =	sor.u32 s31, s30;
	s30 =	spop (v2sf);
	(v2sf) =	vpush v1, $0x8;
	_ =	sdelay $0x1  }
0xed: {  	s31 =	spop (v2sf);
	(v2sf) =	vpush v0, $0x8;
	_ =	sdelay $0x1  }
0xee: {  	s23 =	sshrl.u32 s23, $0x3  }
0xef: {  	s25 =	sadd.s32 $0x580, s22;
	s23 =	sadd.s32 s4, s23  }
0xf0: {  	[tilespmem:s25], [sflag:$0x1] =	stream.linear.gather [hbm4b:s23+s19], $0x80, $0x38;
	[tilespmem:$0x10400] =	vst v63  }
0xf1: {  	s23 =	sor.u32 s28, s26  }
0xf2: {  	s23 =	sshrl.u32 s23, $0x3;
	s26 =	spop (v2sf);
	(v2sf) =	vpush v1, $0x9  }
0xf3: {  	s29 =	sadd.s32 $0x600, s22;
	s23 =	sadd.s32 s4, s23;
	s28 =	spop (v2sf);
	(v2sf) =	vpush v0, $0x9  }
0xf4: {  	[tilespmem:s29], [sflag:$0x1] =	stream.linear.gather [hbm4b:s23+s19], $0x80, $0x38;
	[tilespmem:$0x10400] =	vst v63  }
0xf5: {  	s23 =	sor.u32 s31, s30  }
0xf6: {  	s23 =	sshrl.u32 s23, $0x3;
	s30 =	spop (v2sf);
	(v2sf) =	vpush v1, $0xA  }
0xf7: {  	s25 =	sadd.s32 $0x680, s22;
	s23 =	sadd.s32 s4, s23;
	s31 =	spop (v2sf);
	(v2sf) =	vpush v0, $0xA  }
0xf8: {  	[tilespmem:s25], [sflag:$0x1] =	stream.linear.gather [hbm4b:s23+s19], $0x80, $0x38;
	[tilespmem:$0x10400] =	vst v63  }
0xf9: {  	s23 =	sor.u32 s28, s26;
	s26 =	spop (v2sf);
	(v2sf) =	vpush v1, $0xB  }
0xfa: {  	s23 =	sshrl.u32 s23, $0x3  }
0xfb: {  	s29 =	sadd.s32 $0x700, s22;
	s23 =	sadd.s32 s4, s23;
	s28 =	spop (v2sf);
	(v2sf) =	vpush v0, $0xB  }
0xfc: {  	[tilespmem:s29], [sflag:$0x1] =	stream.linear.gather [hbm4b:s23+s19], $0x80, $0x38;
	[tilespmem:$0x10400] =	vst v63  }
0xfd: {  	s23 =	sor.u32 s31, s30  }
0xfe: {  	s23 =	sshrl.u32 s23, $0x3  }
0xff: {  	s25 =	sadd.s32 $0x780, s22;
	s23 =	sadd.s32 s4, s23  }
0x100: {  	[tilespmem:s25], [sflag:$0x1] =	stream.linear.gather [hbm4b:s23+s19], $0x80, $0x38;
	[tilespmem:$0x10400] =	vst v63  }
0x101: {  	s23 =	sor.u32 s28, s26;
	s30 =	spop (v2sf);
	(v2sf) =	vpush v1, $0xC  }
0x102: {  	s23 =	sshrl.u32 s23, $0x3;
	s31 =	spop (v2sf);
	(v2sf) =	vpush v0, $0xC  }
0x103: {  	s29 =	sadd.s32 $0x800, s22;
	s23 =	sadd.s32 s4, s23  }
0x104: {  	[tilespmem:s29], [sflag:$0x1] =	stream.linear.gather [hbm4b:s23+s19], $0x80, $0x38;
	[tilespmem:$0x10400] =	vst v63  }
0x105: {  	s26 =	spop (v2sf);
	(v2sf) =	vpush v1, $0xD  }
0x106: {  	s23 =	sor.u32 s31, s30;
	s28 =	spop (v2sf);
	(v2sf) =	vpush v0, $0xD  }
0x107: {  	s23 =	sshrl.u32 s23, $0x3  }
0x108: {  	s25 =	sadd.s32 $0x880, s22;
	s23 =	sadd.s32 s4, s23;
	s30 =	spop (v2sf)  }
0x109: {  	(v2sf) =	vpush v1, $0xE;
	[tilespmem:s25], [sflag:$0x1] =	stream.linear.gather [hbm4b:s23+s19], $0x80, $0x38;
	[tilespmem:$0x10400] =	vst v63  }
0x10a: {  	s31 =	spop (v2sf);
	(v2sf) =	vpush v0, $0xE  }
0x10b: {  	s23 =	sor.u32 s28, s26  }
0x10c: {  	s23 =	sshrl.u32 s23, $0x3  }
0x10d: {  	s29 =	sadd.s32 $0x900, s22;
	s23 =	sadd.s32 s4, s23  }
0x10e: {  	[tilespmem:s29], [sflag:$0x1] =	stream.linear.gather [hbm4b:s23+s19], $0x80, $0x38;
	[tilespmem:$0x10400] =	vst v63  }
0x10f: {  	s23 =	sor.u32 s31, s30  }
0x110: {  	s23 =	sshrl.u32 s23, $0x3;
	s26 =	spop (v2sf);
	(v2sf) =	vpush v1, $0xF  }
0x111: {  	s25 =	sadd.s32 $0x980, s22;
	s23 =	sadd.s32 s4, s23;
	s28 =	spop (v2sf);
	(v2sf) =	vpush v0, $0xF  }
0x112: {  	[tilespmem:s25], [sflag:$0x1] =	stream.linear.gather [hbm4b:s23+s19], $0x80, $0x38;
	[tilespmem:$0x10400] =	vst v63  }
0x113: {  	s23 =	sor.u32 s28, s26  }
0x114: {  	s30 =	spop (v2sf);
	s23 =	sshrl.u32 s23, $0x3  }
0x115: {  	s29 =	sadd.s32 $0xA00, s22;
	s31 =	spop (v2sf);
	s23 =	sadd.s32 s4, s23  }
0x116: {  	[tilespmem:s29], [sflag:$0x1] =	stream.linear.gather [hbm4b:s23+s19], $0x80, $0x38;
	[tilespmem:$0x10400] =	vst v63  }
0x117: {  	s23 =	sor.u32 s31, s30  }
0x118: {  	s26 =	spop (v2sf);
	s23 =	sshrl.u32 s23, $0x3  }
0x119: {  	s25 =	sadd.s32 $0xA80, s22;
	s28 =	spop (v2sf);
	s23 =	sadd.s32 s4, s23  }
0x11a: {  	[tilespmem:s25], [sflag:$0x1] =	stream.linear.gather [hbm4b:s23+s19], $0x80, $0x38;
	[tilespmem:$0x10400] =	vst v63  }
0x11b: {  	s23 =	sor.u32 s28, s26  }
0x11c: {  	s23 =	sshrl.u32 s23, $0x3  }
0x11d: {  	s29 =	sadd.s32 $0xB00, s22;
	s23 =	sadd.s32 s4, s23  }
0x11e: {  	[tilespmem:s29], [sflag:$0x1] =	stream.linear.gather [hbm4b:s23+s19], $0x80, $0x38;
	[tilespmem:$0x10400] =	vst v63  }
0x11f: {  	p0 =	sne.s32 s21, $0x1E000;
	s30 =	spop (v2sf)  }
.Ltmp2:
0x120: {  	s31 =	spop (v2sf);
	(pc) =	sbr.rel @p0 .LBB2_5-.Ltmp2, $4  }
0x121: {  	s23 =	sor.u32 s31, s30  }
0x122: {  	s20 =	sadd.s32 $0x10, s20;
	s23 =	sshrl.u32 s23, $0x3  }
0x123: {  	s21 =	sadd.s32 $0x2000, s21;
	s22 =	sadd.s32 $0xB80, s22;
	s23 =	sadd.s32 s4, s23  }
0x124: {  	[tilespmem:s22], [sflag:$0x1] =	stream.linear.gather [hbm4b:s23+s19], $0x80, $0x38;
	[tilespmem:$0x10400] =	vst v63  }
0x125: {  	s20 =	simm.s32 $0x0  }
.LBB2_7:
0x126: {  	s21 =	sand.u32 $0xF0, s19  }
0x127: {  	v0 =	vld [tilespmem:s21+$0x300];
	_ =	sdelay $0x4  }
0x128: {  	v1 =	vshrl.u32 v0, $0x3  }
0x129: {  	v0 =	vand.u32 $0x7, v0;
	v1 =	vshll.u32 v1, $0xA  }
0x12a: {  	v0 =	vshll.u32 v0, $0x7;
	(v2sf) =	vpush v1, $0x0  }
0x12b: {  	(v2sf) =	vpush v0, $0x0;
	_ =	sdelay $0x2  }
0x12c: {  	(v2sf) =	vpush v1, $0x1  }
0x12d: {  	(v2sf) =	vpush v0, $0x1;
	_ =	sdelay $0x1  }
0x12e: {  	(v2sf) =	vpush v1, $0x2;
	_ =	sdelay $0x1  }
0x12f: {  	(v2sf) =	vpush v0, $0x2;
	_ =	sdelay $0x5  }
0x130: {  	s24 =	spop (v2sf);
	(v2sf) =	vpush v1, $0x3  }
0x131: {  	s22 =	spop (v2sf);
	(v2sf) =	vpush v0, $0x3;
	_ =	sdelay $0x2  }
0x132: {  	s25 =	spop (v2sf);
	(v2sf) =	vpush v1, $0x4  }
0x133: {  	s26 =	spop (v2sf);
	(v2sf) =	vpush v0, $0x4;
	_ =	sdelay $0x1  }
0x134: {  	s29 =	spop (v2sf);
	(v2sf) =	vpush v1, $0x5;
	_ =	sdelay $0x1  }
0x135: {  	s30 =	spop (v2sf);
	(v2sf) =	vpush v0, $0x5;
	_ =	sdelay $0x1  }
0x136: {  	s22 =	sor.u32 s22, s24  }
0x137: {  	s21 =	sshra.s32 s20, $0x2;
	s22 =	sshrl.u32 s22, $0x3  }
0x138: {  	s23 =	sadd.s32 $0x8400, s21;
	s22 =	sadd.s32 s4, s22  }
0x139: {  	[tilespmem:s23], [sflag:$0x2] =	stream.linear.gather [hbm4b:s22+s1], $0x80, $0x38;
	[tilespmem:$0x10400] =	vst v63  }
0x13a: {  	s22 =	sor.u32 s26, s25;
	s23 =	spop (v2sf);
	(v2sf) =	vpush v1, $0x6  }
0x13b: {  	s22 =	sshrl.u32 s22, $0x3;
	s24 =	spop (v2sf);
	(v2sf) =	vpush v0, $0x6  }
0x13c: {  	s28 =	sadd.s32 $0x8480, s21;
	s22 =	sadd.s32 s4, s22  }
0x13d: {  	[tilespmem:s28], [sflag:$0x2] =	stream.linear.gather [hbm4b:s22+s1], $0x80, $0x38;
	[tilespmem:$0x10400] =	vst v63  }
0x13e: {  	s26 =	spop (v2sf);
	(v2sf) =	vpush v1, $0x7  }
0x13f: {  	s22 =	sor.u32 s30, s29;
	s28 =	spop (v2sf);
	(v2sf) =	vpush v0, $0x7  }
0x140: {  	s22 =	sshrl.u32 s22, $0x3  }
0x141: {  	s31 =	sadd.s32 $0x8500, s21;
	s22 =	sadd.s32 s4, s22;
	s30 =	spop (v2sf);
	(v2sf) =	vpush v1, $0x8  }
0x142: {  	[tilespmem:s31], [sflag:$0x2] =	stream.linear.gather [hbm4b:s22+s1], $0x80, $0x38;
	[tilespmem:$0x10400] =	vst v63  }
0x143: {  	s31 =	spop (v2sf);
	(v2sf) =	vpush v0, $0x8  }
0x144: {  	s22 =	sor.u32 s24, s23  }
0x145: {  	s22 =	sshrl.u32 s22, $0x3  }
0x146: {  	s25 =	sadd.s32 $0x8580, s21;
	s22 =	sadd.s32 s4, s22  }
0x147: {  	[tilespmem:s25], [sflag:$0x2] =	stream.linear.gather [hbm4b:s22+s1], $0x80, $0x38;
	[tilespmem:$0x10400] =	vst v63  }
0x148: {  	s22 =	sor.u32 s28, s26  }
0x149: {  	s22 =	sshrl.u32 s22, $0x3;
	s25 =	spop (v2sf);
	(v2sf) =	vpush v1, $0x9  }
0x14a: {  	s29 =	sadd.s32 $0x8600, s21;
	s22 =	sadd.s32 s4, s22;
	s26 =	spop (v2sf);
	(v2sf) =	vpush v0, $0x9  }
0x14b: {  	[tilespmem:s29], [sflag:$0x2] =	stream.linear.gather [hbm4b:s22+s1], $0x80, $0x38;
	[tilespmem:$0x10400] =	vst v63  }
0x14c: {  	s22 =	sor.u32 s31, s30  }
0x14d: {  	s22 =	sshrl.u32 s22, $0x3;
	s29 =	spop (v2sf);
	(v2sf) =	vpush v1, $0xA  }
0x14e: {  	s24 =	sadd.s32 $0x8680, s21;
	s22 =	sadd.s32 s4, s22;
	s30 =	spop (v2sf);
	(v2sf) =	vpush v0, $0xA  }
0x14f: {  	[tilespmem:s24], [sflag:$0x2] =	stream.linear.gather [hbm4b:s22+s1], $0x80, $0x38;
	[tilespmem:$0x10400] =	vst v63  }
0x150: {  	s22 =	sor.u32 s26, s25;
	s23 =	spop (v2sf);
	(v2sf) =	vpush v1, $0xB  }
0x151: {  	s22 =	sshrl.u32 s22, $0x3  }
0x152: {  	s28 =	sadd.s32 $0x8700, s21;
	s22 =	sadd.s32 s4, s22;
	s24 =	spop (v2sf);
	(v2sf) =	vpush v0, $0xB  }
0x153: {  	[tilespmem:s28], [sflag:$0x2] =	stream.linear.gather [hbm4b:s22+s1], $0x80, $0x38;
	[tilespmem:$0x10400] =	vst v63  }
0x154: {  	s22 =	sor.u32 s30, s29  }
0x155: {  	s22 =	sshrl.u32 s22, $0x3  }
0x156: {  	s31 =	sadd.s32 $0x8780, s21;
	s22 =	sadd.s32 s4, s22  }
0x157: {  	[tilespmem:s31], [sflag:$0x2] =	stream.linear.gather [hbm4b:s22+s1], $0x80, $0x38;
	[tilespmem:$0x10400] =	vst v63  }
0x158: {  	s22 =	sor.u32 s24, s23;
	s26 =	spop (v2sf);
	(v2sf) =	vpush v1, $0xC  }
0x159: {  	s22 =	sshrl.u32 s22, $0x3;
	s28 =	spop (v2sf);
	(v2sf) =	vpush v0, $0xC  }
0x15a: {  	s25 =	sadd.s32 $0x8800, s21;
	s22 =	sadd.s32 s4, s22  }
0x15b: {  	[tilespmem:s25], [sflag:$0x2] =	stream.linear.gather [hbm4b:s22+s1], $0x80, $0x38;
	[tilespmem:$0x10400] =	vst v63  }
0x15c: {  	s30 =	spop (v2sf);
	(v2sf) =	vpush v1, $0xD  }
0x15d: {  	s22 =	sor.u32 s28, s26;
	s31 =	spop (v2sf);
	(v2sf) =	vpush v0, $0xD  }
0x15e: {  	s22 =	sshrl.u32 s22, $0x3  }
0x15f: {  	s29 =	sadd.s32 $0x8880, s21;
	s22 =	sadd.s32 s4, s22;
	s25 =	spop (v2sf)  }
0x160: {  	(v2sf) =	vpush v1, $0xE;
	[tilespmem:s29], [sflag:$0x2] =	stream.linear.gather [hbm4b:s22+s1], $0x80, $0x38;
	[tilespmem:$0x10400] =	vst v63  }
0x161: {  	s26 =	spop (v2sf);
	(v2sf) =	vpush v0, $0xE  }
0x162: {  	s22 =	sor.u32 s31, s30  }
0x163: {  	s22 =	sshrl.u32 s22, $0x3  }
0x164: {  	s24 =	sadd.s32 $0x8900, s21;
	s22 =	sadd.s32 s4, s22  }
0x165: {  	[tilespmem:s24], [sflag:$0x2] =	stream.linear.gather [hbm4b:s22+s1], $0x80, $0x38;
	[tilespmem:$0x10400] =	vst v63  }
0x166: {  	s22 =	sor.u32 s26, s25  }
0x167: {  	s22 =	sshrl.u32 s22, $0x3;
	s29 =	spop (v2sf);
	(v2sf) =	vpush v1, $0xF  }
0x168: {  	s28 =	sadd.s32 $0x8980, s21;
	s22 =	sadd.s32 s4, s22;
	s30 =	spop (v2sf);
	(v2sf) =	vpush v0, $0xF  }
0x169: {  	[tilespmem:s28], [sflag:$0x2] =	stream.linear.gather [hbm4b:s22+s1], $0x80, $0x38;
	[tilespmem:$0x10400] =	vst v63  }
0x16a: {  	s22 =	sor.u32 s30, s29  }
0x16b: {  	s23 =	spop (v2sf);
	s22 =	sshrl.u32 s22, $0x3  }
0x16c: {  	s31 =	sadd.s32 $0x8A00, s21;
	s24 =	spop (v2sf);
	s22 =	sadd.s32 s4, s22  }
0x16d: {  	[tilespmem:s31], [sflag:$0x2] =	stream.linear.gather [hbm4b:s22+s1], $0x80, $0x38;
	[tilespmem:$0x10400] =	vst v63  }
0x16e: {  	s22 =	sor.u32 s24, s23  }
0x16f: {  	s26 =	spop (v2sf);
	s22 =	sshrl.u32 s22, $0x3  }
0x170: {  	s25 =	sadd.s32 $0x8A80, s21;
	s28 =	spop (v2sf);
	s22 =	sadd.s32 s4, s22  }
0x171: {  	[tilespmem:s25], [sflag:$0x2] =	stream.linear.gather [hbm4b:s22+s1], $0x80, $0x38;
	[tilespmem:$0x10400] =	vst v63  }
0x172: {  	s22 =	sor.u32 s28, s26  }
0x173: {  	s22 =	sshrl.u32 s22, $0x3  }
0x174: {  	s29 =	sadd.s32 $0x8B00, s21;
	s22 =	sadd.s32 s4, s22  }
0x175: {  	[tilespmem:s29], [sflag:$0x2] =	stream.linear.gather [hbm4b:s22+s1], $0x80, $0x38;
	[tilespmem:$0x10400] =	vst v63  }
0x176: {  	p0 =	sne.s32 s20, $0x1E000;
	s30 =	spop (v2sf)  }
.Ltmp3:
0x177: {  	s31 =	spop (v2sf);
	(pc) =	sbr.rel @p0 .LBB2_7-.Ltmp3, $4  }
0x178: {  	s22 =	sor.u32 s31, s30  }
0x179: {  	s19 =	sadd.s32 $0x10, s19;
	s22 =	sshrl.u32 s22, $0x3  }
0x17a: {  	s20 =	sadd.s32 $0x2000, s20;
	s21 =	sadd.s32 $0x8B80, s21;
	s22 =	sadd.s32 s4, s22  }
0x17b: {  	[tilespmem:s21], [sflag:$0x2] =	stream.linear.gather [hbm4b:s22+s1], $0x80, $0x38;
	[tilespmem:$0x10400] =	vst v63  }
0x17c: {  	_ =	swait.ge [sflag:s14], $0x8000  }
0x17d: {  	[sflag:s14] =	ssyncset.done $0x0  }
0x17e: {  	[sflag:s14] =	ssyncadd.s32 $0xFFFF8000  }
0x17f: {  	[hbm4b:s9+s1] =	stream.linear.scatter [tilespmem:s15], [sflag:$0x3], $0x8000, $0x38;
	[tilespmem:$0x10400] =	vst v63  }
0x180: {  	_ =	swait.ge [sflag:s12], $0x8000  }
0x181: {  	[sflag:s12] =	ssyncset.done $0x0  }
0x182: {  	[sflag:s12] =	ssyncadd.s32 $0xFFFF8000  }
0x183: {  	s18 =	sadd.s32 $0x1, s18;
	_ =	swait.ge [sflag:s16], $0x8000  }
0x184: {  	p0 =	sne.s32 s18, s11;
	[sflag:s16] =	ssyncset.done $0x0  }
.Ltmp4:
0x185: {  	[sflag:s16] =	ssyncadd.s32 $0xFFFF8000;
	(pc) =	sbr.rel @p0 .LBB2_1-.Ltmp4, $4  }
0x186: {  	[hbm4b:s10+s1] =	stream.linear.scatter [tilespmem:s17], [sflag:$0x3], $0x8000, $0x38;
	[tilespmem:$0x10400] =	vst v63  }
0x187: {  	_ =	swait.ge [sflag:s12], $0x8000  }
0x188: {  	[sflag:s12] =	ssyncset.done $0x0  }
0x189: {  	[sflag:s12] =	ssyncadd.s32 $0xFFFF8000  }
0x18a: {  	_ =	sfence.sel $0x180000  }
0x18b: {  	[bflag:$0x0] =	sbarrier.arrive $0xFFFF  }
0x18c: {  	p0 =	sne.s32 s2, $0x0;
	_ =	strace $0x90000047  }
0x18d: {  	s0 =	sadd.s32 @!p0 $0x100000, s0;
	[bflag:$0x2] =	sbarrier.arrive $0xFFFF  }
0x18e: {  	[sflag:s0] =	ssyncadd.tile.s32 @!p0 $0x1;
	_ =	shalt  }
.Lfunc_end2:
_tile_overlayer_lowered:
.L_overlay_start_2:
0x18f: {  	(tag) =	ssettag $0x2  }
0x190: {  	s0 =	rddreg [dreg:$0x0];
	s2 =	stileid.u32  }
0x191: {  	s1 =	rddreg [dreg:$0x1];
	p0 =	sne.s32 s2, $0x0  }
0x192: {  	s3 =	rddreg [dreg:$0x2];
	[bflag:$0x3] =	sbarrier.arrive $0xFFFF;
	s2 =	simm.s32 @!p0 $0x1C03  }
0x193: {  	[timem:s3], [sflag:s2] =	dma.local @!p0 [hbm:s0], s1  }
0x194: {  	s0 =	simm.s32 @!p0 $0x3  }
0x195: {  	_ =	swait.ge @!p0 [sflag:s0], s1  }
0x196: {  	s1 =	ssub.s32 @!p0 $0x0, s1;
	[sflag:s0] =	ssyncset.done @!p0 $0x0  }
0x197: {  	[sflag:s0] =	ssyncadd.s32 @!p0 s1  }
0x198: {  	[bflag:$0x3] =	sbarrier.arrive $0xFFFF  }
0x199: {  	_ =	shalt  }

</sc_bundles>
